<compile_context>
chip_gen: v7x
topology: tpu7x:2x2x1
jax: 0.10.2.dev20260603
libtpu: 0.0.44.dev20260713+nightly
codegen_flags: <defaults>
</compile_context>

<pallas_src>
import functools

import jax
import jax.numpy as jnp
from jax import lax
from jax.experimental import pallas as pl
from jax.experimental.pallas import tpu as pltpu
from jax.experimental.pallas import tpu_sc as plsc

_NC = 2
_NS = 16
_NW = _NC * _NS
_K = 128
_NUM_GRAPHS = 64


def _ceil_to(a, m):
    return (a + m - 1) // m * m


def _make_sc_scatter(n_pad, n_edges, d, with_deg):
    total_chunks = n_edges // _K
    tail = n_edges - total_chunks * _K
    base_chunks = total_chunks // _NW
    rem_chunks = total_chunks % _NW
    rows_per_sub = n_pad // _NS
    hr = n_pad // _K
    hrp = _ceil_to(hr, 16)

    mesh = plsc.VectorSubcoreMesh(core_axis_name="c", subcore_axis_name="s")

    out_type = [jax.ShapeDtypeStruct((_NC * n_pad, d), jnp.float32)]
    scratch = [
        pltpu.VMEM((2, _K), jnp.int32),
        pltpu.VMEM((2, _K), jnp.int32),
        pltpu.VMEM((_K, d), jnp.float32),
        pltpu.VMEM((_K, d), jnp.float32),
        pltpu.SemaphoreType.DMA,
        pltpu.SemaphoreType.DMA,
        pltpu.VMEM_SHARED((n_pad, d), jnp.float32),
    ]
    if tail:
        scratch += [pltpu.VMEM((2, tail), jnp.int32)]
    if with_deg:
        out_type.append(jax.ShapeDtypeStruct((_NC * hrp, _K), jnp.float32))
        scratch += [
            pltpu.VMEM((hrp, _K), jnp.float32),
            pltpu.VMEM((hrp,), jnp.int32),
            pltpu.VMEM_SHARED((hrp, _K), jnp.float32),
        ]

    @functools.partial(
        pl.kernel, mesh=mesh, out_type=out_type, scratch_types=scratch,
        compiler_params=pltpu.CompilerParams(needs_layout_passes=False))
    def sc_kernel(x_hbm, ei_hbm, z_hbm, *refs):
        refs = list(refs)
        acc_out = refs.pop(0)
        deg_out = refs.pop(0) if with_deg else None
        (idx0_v, idx1_v, rows0_v, rows1_v, sem0, sem1, acc_sh) = refs[:7]
        refs = refs[7:]
        if tail:
            tidx_v = refs[0]
            refs = refs[1:]
        if with_deg:
            hist_v, rix_v, deg_sh = refs
        idxs = (idx0_v, idx1_v)
        rows, sems = (rows0_v, rows1_v), (sem0, sem1)
        cid = lax.axis_index("c")
        sid = lax.axis_index("s")
        wid = sid * _NC + cid

        r0 = sid * rows_per_sub
        pltpu.sync_copy(z_hbm.at[pl.ds(r0, rows_per_sub)],
                        acc_sh.at[pl.ds(r0, rows_per_sub)])
        if with_deg:
            pltpu.sync_copy(z_hbm.at[pl.ds(0, hrp)], hist_v)
            for t in range(hrp // 16):
                rix_v[pl.ds(t * 16, 16)] = (
                    lax.broadcasted_iota(jnp.int32, (16,), 0) + t * 16)

            @pl.when(sid == 0)
            def _():
                pltpu.sync_copy(z_hbm.at[pl.ds(0, hrp)], deg_sh)

        plsc.subcore_barrier()

        cnt = base_chunks + jnp.where(wid < rem_chunks, 1, 0)
        start = wid * base_chunks + lax.min(wid, rem_chunks)
        ones16 = jnp.ones((16,), jnp.float32)

        def load_idx(k, b):
            off = pl.multiple_of((start + k) * _K, _K)
            pltpu.sync_copy(ei_hbm.at[pl.ds(0, 2), pl.ds(off, _K)], idxs[b])

        def hist_update(ref, count):
            for q in range(count // 16):
                dvec = ref[1, pl.ds(q * 16, 16)]
                ridx = lax.shift_right_logical(dvec, 7)
                cidx = lax.bitwise_and(dvec, 127)
                plsc.addupdate_scatter(hist_v, [ridx, cidx], ones16)

        load_idx(0, 0)
        pltpu.async_copy(x_hbm.at[idxs[0].at[0]], rows[0], sems[0])

        def pair(p, carry):
            for b in range(2):
                k = p * 2 + b
                kn = lax.rem(k + 1, cnt)
                load_idx(kn, 1 - b)
                pltpu.async_copy(x_hbm.at[idxs[1 - b].at[0]], rows[1 - b],
                                 sems[1 - b])
                pltpu.make_async_copy(
                    x_hbm.at[idxs[b].at[0]], rows[b], sems[b]).wait()
                pltpu.sync_copy(rows[b], acc_sh.at[idxs[b].at[1]], add=True)
                if with_deg:
                    hist_update(idxs[b], _K)
            return carry

        lax.fori_loop(0, cnt // 2, pair, 0)
        pltpu.make_async_copy(x_hbm.at[idxs[0].at[0]], rows[0], sems[0]).wait()

        @pl.when(lax.rem(cnt, 2) == 1)
        def _():
            load_idx(cnt - 1, 0)
            pltpu.async_copy(x_hbm.at[idxs[0].at[0]], rows[0], sems[0]).wait()
            pltpu.sync_copy(rows[0], acc_sh.at[idxs[0].at[1]], add=True)
            if with_deg:
                hist_update(idxs[0], _K)
        if tail:
            @pl.when(wid == _NW - 1)
            def _():
                toff = pl.multiple_of(total_chunks * _K, _K)
                pltpu.sync_copy(ei_hbm.at[pl.ds(0, 2), pl.ds(toff, tail)],
                                tidx_v)
                trows = rows[0].at[pl.ds(0, tail)]
                pltpu.async_copy(x_hbm.at[tidx_v.at[0]], trows, sems[0]).wait()
                pltpu.sync_copy(trows, acc_sh.at[tidx_v.at[1]], add=True)
                if with_deg:
                    hist_update(tidx_v, tail)
        if with_deg:
            pltpu.sync_copy(hist_v, deg_sh.at[rix_v], add=True)
        plsc.subcore_barrier()

        o0 = cid * n_pad + r0
        pltpu.sync_copy(acc_sh.at[pl.ds(r0, rows_per_sub)],
                        acc_out.at[pl.ds(o0, rows_per_sub)])
        if with_deg:
            @pl.when(sid == 0)
            def _():
                pltpu.sync_copy(deg_sh, deg_out.at[pl.ds(cid * hrp, hrp)])

    return sc_kernel


def _sage_linear(p, deg, x, wl, wr, b, n_pad, br):
    nsteps = n_pad // br
    h = wl.shape[1]
    d = x.shape[1]

    def body(p0_r, p1_r, deg_r, x_r, wl_r, wr_r, b_r, o_r):
        s = (p0_r[...] + p1_r[...]) / deg_r[...]
        acc = (jnp.dot(s, wl_r[...], preferred_element_type=jnp.float32)
               + jnp.dot(x_r[...], wr_r[...], preferred_element_type=jnp.float32)
               + b_r[...])
        o_r[...] = jnp.maximum(acc, 0.0)

    full = lambda a: pl.BlockSpec(a.shape, lambda i: (0,) * a.ndim)
    return pl.pallas_call(
        body,
        grid=(nsteps,),
        in_specs=[
            pl.BlockSpec((br, d), lambda i: (i, 0)),
            pl.BlockSpec((br, d), lambda i: (i + nsteps, 0)),
            pl.BlockSpec((br, 1), lambda i: (i, 0)),
            pl.BlockSpec((br, d), lambda i: (i, 0)),
            full(wl), full(wr), full(b),
        ],
        out_specs=pl.BlockSpec((br, h), lambda i: (i, 0)),
        out_shape=jax.ShapeDtypeStruct((n_pad, h), jnp.float32),
    )(p, p, deg, x, wl, wr, b)


def _pool_stage(p, deg, x1, batch3d, wl2, wr2, b2, wbt, wbb, bb, n_pad, br):
    nsteps = n_pad // br
    g = _NUM_GRAPHS

    def body(p0_r, p1_r, deg_r, x1_r, bat_r, wl_r, wr_r, b_r,
             wbt_r, wbb_r, bb_r, ps_r, cnt_r):
        i = pl.program_id(0)
        s = (p0_r[...] + p1_r[...]) / deg_r[...]
        x2 = jnp.maximum(
            jnp.dot(s, wl_r[...], preferred_element_type=jnp.float32)
            + jnp.dot(x1_r[...], wr_r[...], preferred_element_type=jnp.float32)
            + b_r[...], 0.0)
        hb = jnp.maximum(
            jnp.dot(x1_r[...], wbt_r[...], preferred_element_type=jnp.float32)
            + jnp.dot(x2, wbb_r[...], preferred_element_type=jnp.float32)
            + bb_r[...], 0.0)
        bids = bat_r[0, 0, :]
        onehot = (lax.broadcasted_iota(jnp.int32, (g, br), 0)
                  == bids[None, :]).astype(jnp.float32)
        ps = jnp.dot(onehot, hb, preferred_element_type=jnp.float32)
        cs = jnp.broadcast_to(jnp.sum(onehot, axis=1, keepdims=True),
                              (g, hb.shape[1]))

        @pl.when(i == 0)
        def _():
            ps_r[...] = ps
            cnt_r[...] = cs

        @pl.when(i > 0)
        def _():
            ps_r[...] += ps
            cnt_r[...] += cs

    d = x1.shape[1]
    full = lambda a: pl.BlockSpec(a.shape, lambda i: (0,) * a.ndim)
    return pl.pallas_call(
        body,
        grid=(nsteps,),
        in_specs=[
            pl.BlockSpec((br, d), lambda i: (i, 0)),
            pl.BlockSpec((br, d), lambda i: (i + nsteps, 0)),
            pl.BlockSpec((br, 1), lambda i: (i, 0)),
            pl.BlockSpec((br, d), lambda i: (i, 0)),
            pl.BlockSpec((1, 1, br), lambda i: (i, 0, 0)),
            full(wl2), full(wr2), full(b2), full(wbt), full(wbb), full(bb),
        ],
        out_specs=[
            pl.BlockSpec((g, d), lambda i: (0, 0)),
            pl.BlockSpec((g, d), lambda i: (0, 0)),
        ],
        out_shape=[
            jax.ShapeDtypeStruct((g, d), jnp.float32),
            jax.ShapeDtypeStruct((g, d), jnp.float32),
        ],
    )(p, p, deg, x1, batch3d, wl2, wr2, b2, wbt, wbb, bb)


def _head(ps, cnt, w1, b1, w2, b2):
    g, d = ps.shape
    c = w2.shape[1]

    def body(ps_r, cnt_r, w1_r, b1_r, w2_r, b2_r, o_r):
        pooled = ps_r[...] / jnp.maximum(cnt_r[...], 1.0)
        t = jnp.maximum(
            jnp.dot(pooled, w1_r[...], preferred_element_type=jnp.float32)
            + b1_r[...], 0.0)
        z = (jnp.dot(t, w2_r[...], preferred_element_type=jnp.float32)
             + b2_r[...])
        m = jnp.max(z, axis=-1, keepdims=True)
        e = jnp.exp(z - m)
        lse = jnp.log(jnp.sum(e, axis=-1, keepdims=True)) + m
        o_r[...] = z - lse

    full = lambda a: pl.BlockSpec(a.shape, lambda: (0,) * a.ndim)
    return pl.pallas_call(
        body,
        in_specs=[full(ps), full(cnt), full(w1), full(b1), full(w2), full(b2)],
        out_specs=pl.BlockSpec((g, c), lambda: (0, 0)),
        out_shape=jax.ShapeDtypeStruct((g, c), jnp.float32),
    )(ps, cnt, w1, b1, w2, b2)


def kernel(x, edge_index, edge_attr, batch, W_l1, W_r1, b_l1, W_l2, W_r2,
           b_l2, W_blk, b_blk, W1, b1, W2, b2):
    n, d = x.shape
    e = edge_index.shape[1]
    h = W_l1.shape[1]

    br = 1264
    n_pad = _ceil_to(n + 1, _K)
    n_pad = _ceil_to(n_pad, br)
    hr = n_pad // _K
    hrp = _ceil_to(hr, 16)

    batch_p = jnp.pad(batch, (0, n_pad - n), constant_values=_NUM_GRAPHS)
    batch3d = batch_p.reshape(n_pad // br, 1, br)

    z128 = jnp.zeros((n_pad, d), jnp.float32)

    p1, dpart = _make_sc_scatter(n_pad, e, d, True)(x, edge_index, z128)
    deg = (dpart[:hrp] + dpart[hrp:]).reshape(-1)[:n_pad]
    deg = jnp.maximum(deg, 1.0).reshape(n_pad, 1)

    x1 = _sage_linear(p1, deg, x, W_l1, W_r1, b_l1.reshape(1, h), n_pad, br)

    (p2,) = _make_sc_scatter(n_pad, e, h, False)(x1, edge_index, z128)

    ps, cnt = _pool_stage(p2, deg, x1, batch3d, W_l2, W_r2,
                          b_l2.reshape(1, h), W_blk[:h], W_blk[h:],
                          b_blk.reshape(1, h), n_pad, br)

    return _head(ps, cnt, W1, b1.reshape(1, h), W2, b2.reshape(1, W2.shape[1]))

# --- scband reference (transcript-rebuilt; emitter-appended) ---
"""Pipeline reference for scband-kplex-pool-12695923327234 (READ-ONLY COPY).

The authoritative reference and input builder live on the scoring server;
editing this copy changes nothing except your own understanding.
"""

import jax, jax.numpy as jnp
import numpy as np

N = 10000
E = 320000
D = 128
H = 128
C = 10
G = 64


def setup_inputs(seed: int = 0) -> dict:
    key = jax.random.key(seed)
    ks = jax.random.split(key, 16)
    s = 0.05
    return {
        "x": jax.random.normal(ks[0], (N, D), jnp.float32),
        "edge_index": jax.random.randint(ks[1], (2, E), 0, N, jnp.int32),
        "edge_attr": jax.random.uniform(ks[2], (E,), jnp.float32),
        "batch": jnp.sort(jax.random.randint(ks[3], (N,), 0, G, jnp.int32)),
        # in_block.conv1 (SAGEConv: lin_l applied to mean-aggregated neighbors, lin_r to self)
        "W_l1": jax.random.normal(ks[4], (D, H), jnp.float32) * s,
        "W_r1": jax.random.normal(ks[5], (D, H), jnp.float32) * s,
        "b_l1": jnp.zeros((H,), jnp.float32),
        # in_block.conv2
        "W_l2": jax.random.normal(ks[6], (H, H), jnp.float32) * s,
        "W_r2": jax.random.normal(ks[7], (H, H), jnp.float32) * s,
        "b_l2": jnp.zeros((H,), jnp.float32),
        # in_block.lin
        "W_blk": jax.random.normal(ks[8], (2 * H, H), jnp.float32) * s,
        "b_blk": jnp.zeros((H,), jnp.float32),
        # lin1 (num_layers * hidden = hidden since num_layers=1)
        "W1": jax.random.normal(ks[9], (H, H), jnp.float32) * s,
        "b1": jnp.zeros((H,), jnp.float32),
        # lin2
        "W2": jax.random.normal(ks[10], (H, C), jnp.float32) * s,
        "b2": jnp.zeros((C,), jnp.float32),
    }


def _sage_conv(x, src, dst, W_l, W_r, b_l, n):
    # PyG SAGEConv: mean aggregation of source messages at dst + self transform
    msgs = x[src]
    aggr = jax.ops.segment_sum(msgs, dst, num_segments=n)
    deg = jax.ops.segment_sum(jnp.ones((src.shape[0], 1), x.dtype), dst, num_segments=n)
    aggr = aggr / jnp.clip(deg, 1.0)
    return aggr @ W_l + b_l + x @ W_r


def _global_mean_pool(x, batch, g):
    s = jax.ops.segment_sum(x, batch, num_segments=g)
    cnt = jax.ops.segment_sum(jnp.ones((x.shape[0], 1), x.dtype), batch, num_segments=g)
    return s / jnp.clip(cnt, 1.0)


def reference(x, edge_index, edge_attr, batch, W_l1, W_r1, b_l1, W_l2, W_r2, b_l2, W_blk, b_blk, W1, b1, W2, b2):
    n = x.shape[0]
    src = edge_index[0]
    dst = edge_index[1]
    # in_block (Block): two SAGEConvs + linear over concat
    x1 = jax.nn.relu(_sage_conv(x, src, dst, W_l1, W_r1, b_l1, n))
    x2 = jax.nn.relu(_sage_conv(x1, src, dst, W_l2, W_r2, b_l2, n))
    xb = jnp.concatenate([x1, x2], axis=-1) @ W_blk + b_blk
    h = jax.nn.relu(xb)
    # num_layers=1: no pooling blocks executed; edge_attr (weights) unused, as in torch forward
    pooled = _global_mean_pool(h, batch, G)
    out = jax.nn.relu(pooled @ W1 + b1)
    # dropout skipped (eval mode)
    out = out @ W2 + b2
    return jax.nn.log_softmax(out, axis=-1)

if __name__ == "__main__":
    import jax
    _d = setup_inputs()
    print(jax.jit(kernel)(*tuple(_d.values())))

</pallas_src>

<mosaic_0001>
#map = affine_map<(d0, d1) -> (0, 0)>
module attributes {stable_mosaic.version = 14 : i64} {
  func.func @sc_kernel(%arg0: i32, %arg1: i32, %arg2: memref<10112x128xf32, #tpu.memory_space<hbm>>, %arg3: memref<2x320000xi32, #tpu.memory_space<hbm>>, %arg4: memref<10112x128xf32, #tpu.memory_space<hbm>>, %arg5: memref<20224x128xf32, #tpu.memory_space<hbm>>, %arg6: memref<2x128xi32, #tpu.memory_space<vmem>>, %arg7: memref<2x128xi32, #tpu.memory_space<vmem>>, %arg8: memref<128x128xf32, #tpu.memory_space<vmem>>, %arg9: memref<128x128xf32, #tpu.memory_space<vmem>>, %arg10: memref<!tpu.dma_semaphore, #tpu.memory_space<semaphore_mem>>, %arg11: memref<!tpu.dma_semaphore, #tpu.memory_space<semaphore_mem>>, %arg12: memref<10112x128xf32, #tpu.memory_space<vmem_shared>>) attributes {dimension_semantics = [#tpu.dimension_semantics<core_parallel>, #tpu.dimension_semantics<subcore_parallel>], iteration_bounds = array<i64: 2, 16>, scalar_prefetch = 0 : i64, scratch_operands = 7 : i64, tpu.core_type = #tpu.core_type<sc_vector_subcore>, window_params = [{transform_indices = #map}, {transform_indices = #map}, {transform_indices = #map}, {transform_indices = #map}]} {
    %mul3A = arith.constant 2 : i32
    %mul3A_0 = arith.muli %arg1, %mul3A : i32
    %add3A = arith.addi %mul3A_0, %arg0 : i32
    %mul3A_1 = arith.constant 632 : i32
    %mul3A_2 = arith.muli %arg1, %mul3A_1 : i32
    "tpu.region"() ({
      %run_scoped3A = tpu.sem_alloc : memref<!tpu.dma_semaphore, #tpu.memory_space<semaphore_mem>>
      %dma_start3A_63 = arith.constant 0 : i32
      %dma_start3A_64 = tpu.memref_slice %arg12[%mul3A_2, %dma_start3A_63] : memref<10112x128xf32, #tpu.memory_space<vmem_shared>> -> memref<632x128xf32, #tpu.memory_space<vmem_shared>>
      %dma_start3A_65 = arith.constant 0 : i32
      %dma_start3A_66 = tpu.memref_slice %arg4[%mul3A_2, %dma_start3A_65] : memref<10112x128xf32, #tpu.memory_space<hbm>> -> memref<632x128xf32, #tpu.memory_space<hbm>>
      tpu.enqueue_dma source(%dma_start3A_66 : memref<632x128xf32, #tpu.memory_space<hbm>>) target(%dma_start3A_64 : memref<632x128xf32, #tpu.memory_space<vmem_shared>>) target_semaphore(%run_scoped3A : memref<!tpu.dma_semaphore, #tpu.memory_space<semaphore_mem>>)
      %dma_wait3A_67 = arith.constant 0 : i32
      %dma_wait3A_68 = tpu.memref_slice %arg12[%mul3A_2, %dma_wait3A_67] : memref<10112x128xf32, #tpu.memory_space<vmem_shared>> -> memref<632x128xf32, #tpu.memory_space<vmem_shared>>
      %dma_wait3A_69 = arith.constant 0 : i32
      %dma_wait3A_70 = tpu.memref_slice %arg4[%mul3A_2, %dma_wait3A_69] : memref<10112x128xf32, #tpu.memory_space<hbm>> -> memref<632x128xf32, #tpu.memory_space<hbm>>
      tpu.wait_dma2 semaphore(%run_scoped3A : memref<!tpu.dma_semaphore, #tpu.memory_space<semaphore_mem>>) src(%dma_wait3A_70 : memref<632x128xf32, #tpu.memory_space<hbm>>) dst(%dma_wait3A_68 : memref<632x128xf32, #tpu.memory_space<vmem_shared>>)
      tpu.yield
    }) : () -> ()
    %barrier3A = arith.constant 0 : index
    tpu.barrier barrier_id(%barrier3A)
    %lt3A = arith.constant 4 : i32
    %lt3A_3 = arith.cmpi slt, %add3A, %lt3A : i32
    %jit3A = arith.constant 1 : i32
    %jit3A_4 = arith.constant 0 : i32
    %select_n3A = arith.select %lt3A_3, %jit3A, %jit3A_4 : i32
    %add3A_5 = arith.constant 78 : i32
    %add3A_6 = arith.addi %add3A_5, %select_n3A : i32
    %mul3A_7 = arith.constant 78 : i32
    %mul3A_8 = arith.muli %add3A, %mul3A_7 : i32
    %min3A = arith.constant 4 : i32
    %min3A_9 = arith.minsi %add3A, %min3A : i32
    %add3A_10 = arith.addi %mul3A_8, %min3A_9 : i32
    %broadcast_in_dim3A = arith.constant 1.000000e+00 : f32
    %broadcast_in_dim3A_11 = vector.broadcast %broadcast_in_dim3A : f32 to vector<16xf32>
    %add3A_12 = arith.constant 0 : i32
    %add3A_13 = arith.addi %add3A_10, %add3A_12 : i32
    %mul3A_14 = arith.constant 128 : i32
    %mul3A_15 = arith.muli %add3A_13, %mul3A_14 : i32
    %multiple_of3A = tpu.assume_multiple %mul3A_15, 128 : i32
    "tpu.region"() ({
      %run_scoped3A = tpu.sem_alloc : memref<!tpu.dma_semaphore, #tpu.memory_space<semaphore_mem>>
      %dma_start3A_63 = arith.constant 0 : i32
      %dma_start3A_64 = tpu.memref_slice %arg3[%dma_start3A_63, %multiple_of3A] : memref<2x320000xi32, #tpu.memory_space<hbm>> -> memref<2x128xi32, #tpu.memory_space<hbm>>
      %dma_start3A_65 = arith.constant 0 : i32
      %dma_start3A_66 = tpu.memref_slice %arg3[%dma_start3A_65, %multiple_of3A] : memref<2x320000xi32, #tpu.memory_space<hbm>> -> memref<2x128xi32, #tpu.memory_space<hbm>>
      tpu.enqueue_dma source(%dma_start3A_66 : memref<2x128xi32, #tpu.memory_space<hbm>>) target(%arg6 : memref<2x128xi32, #tpu.memory_space<vmem>>) target_semaphore(%run_scoped3A : memref<!tpu.dma_semaphore, #tpu.memory_space<semaphore_mem>>)
      %dma_wait3A_67 = arith.constant 0 : i32
      %dma_wait3A_68 = tpu.memref_slice %arg3[%dma_wait3A_67, %multiple_of3A] : memref<2x320000xi32, #tpu.memory_space<hbm>> -> memref<2x128xi32, #tpu.memory_space<hbm>>
      %dma_wait3A_69 = arith.constant 0 : i32
      %dma_wait3A_70 = tpu.memref_slice %arg3[%dma_wait3A_69, %multiple_of3A] : memref<2x320000xi32, #tpu.memory_space<hbm>> -> memref<2x128xi32, #tpu.memory_space<hbm>>
      tpu.wait_dma2 semaphore(%run_scoped3A : memref<!tpu.dma_semaphore, #tpu.memory_space<semaphore_mem>>) src(%dma_wait3A_70 : memref<2x128xi32, #tpu.memory_space<hbm>>) dst(%arg6 : memref<2x128xi32, #tpu.memory_space<vmem>>)
      tpu.yield
    }) : () -> ()
    %dma_start3A = arith.constant 0 : i32
    %dma_start3A_16 = arith.constant 0 : i32
    %dma_start3A_17 = tpu.memref_slice %arg6[%dma_start3A, %dma_start3A_16] : memref<2x128xi32, #tpu.memory_space<vmem>> -> memref<1x128xi32, #tpu.memory_space<vmem>>
    %dma_start3A_18 = tpu.memref_squeeze %dma_start3A_17 : memref<1x128xi32, #tpu.memory_space<vmem>> -> memref<128xi32, #tpu.memory_space<vmem>>
    %dma_start3A_19 = arith.constant 0 : i32
    %dma_start3A_20 = arith.constant 0 : i32
    %dma_start3A_21 = tpu.memref_slice %arg2[%dma_start3A_19, %dma_start3A_20] : memref<10112x128xf32, #tpu.memory_space<hbm>> -> memref<10112x128xf32, #tpu.memory_space<hbm>>
    tpu.enqueue_indirect_dma source(%dma_start3A_21 : memref<10112x128xf32, #tpu.memory_space<hbm>>) target(%arg8 : memref<128x128xf32, #tpu.memory_space<vmem>>) offsets(%dma_start3A_18 : memref<128xi32, #tpu.memory_space<vmem>>) semaphore(%arg10 : memref<!tpu.dma_semaphore, #tpu.memory_space<semaphore_mem>>)
    %jit3A_22 = arith.constant 2 : i32
    %div3A = arith.divsi %add3A_6, %jit3A_22 : i32
    %sign3A = arith.constant 0 : i32
    %sign3A_23 = arith.cmpi sgt, %add3A_6, %sign3A : i32
    %sign3A_24 = arith.extui %sign3A_23 : i1 to i32
    %sign3A_25 = arith.constant 0 : i32
    %sign3A_26 = arith.cmpi slt, %add3A_6, %sign3A_25 : i32
    %sign3A_27 = arith.extui %sign3A_26 : i1 to i32
    %sign3A_28 = arith.subi %sign3A_24, %sign3A_27 : i32
    %sign3A_29 = arith.constant 0 : i32
    %sign3A_30 = arith.cmpi sgt, %jit3A_22, %sign3A_29 : i32
    %sign3A_31 = arith.extui %sign3A_30 : i1 to i32
    %sign3A_32 = arith.constant 0 : i32
    %sign3A_33 = arith.cmpi slt, %jit3A_22, %sign3A_32 : i32
    %sign3A_34 = arith.extui %sign3A_33 : i1 to i32
    %sign3A_35 = arith.subi %sign3A_31, %sign3A_34 : i32
    %ne3A = arith.cmpi ne, %sign3A_28, %sign3A_35 : i32
    %rem3A = arith.remsi %add3A_6, %jit3A_22 : i32
    %ne3A_36 = arith.constant 0 : i32
    %ne3A_37 = arith.cmpi ne, %rem3A, %ne3A_36 : i32
    %and3A = arith.andi %ne3A, %ne3A_37 : i1
    %sub3A = arith.constant 1 : i32
    %sub3A_38 = arith.subi %div3A, %sub3A : i32
    %select_n3A_39 = arith.select %and3A, %sub3A_38, %div3A : i32
    %while3A = arith.constant 0 : i32
    %while3A_40 = arith.constant 0 : i32
    %while3A_41 = arith.subi %select_n3A_39, %while3A_40 : i32
    %while3A_42 = arith.addi %while3A_40, %while3A_41 : i32
    %while3A_43 = arith.constant 1 : i32
    %while3A_44 = arith.divsi %while3A_41, %while3A_43 : i32
    %while3A_45 = arith.muli %while3A_44, %while3A_43 : i32
    %while3A_46 = arith.addi %while3A_40, %while3A_45 : i32
    %while3A_47 = arith.constant 1 : i32
    scf.for %while3A_63 = %while3A_40 to %while3A_46 step %while3A_47  : i32 {
      %mul3A_64 = arith.constant 2 : i32
      %mul3A_65 = arith.muli %while3A_63, %mul3A_64 : i32
      %add3A_66 = arith.constant 0 : i32
      %add3A_67 = arith.addi %mul3A_65, %add3A_66 : i32
      %add3A_68 = arith.constant 1 : i32
      %add3A_69 = arith.addi %add3A_67, %add3A_68 : i32
      %rem3A_70 = arith.remsi %add3A_69, %add3A_6 : i32
      %add3A_71 = arith.addi %add3A_10, %rem3A_70 : i32
      %mul3A_72 = arith.constant 128 : i32
      %mul3A_73 = arith.muli %add3A_71, %mul3A_72 : i32
      %multiple_of3A_74 = tpu.assume_multiple %mul3A_73, 128 : i32
      "tpu.region"() ({
        %run_scoped3A_115 = tpu.sem_alloc : memref<!tpu.dma_semaphore, #tpu.memory_space<semaphore_mem>>
        %dma_start3A_116 = arith.constant 0 : i32
        %dma_start3A_117 = tpu.memref_slice %arg3[%dma_start3A_116, %multiple_of3A_74] : memref<2x320000xi32, #tpu.memory_space<hbm>> -> memref<2x128xi32, #tpu.memory_space<hbm>>
        %dma_start3A_118 = arith.constant 0 : i32
        %dma_start3A_119 = tpu.memref_slice %arg3[%dma_start3A_118, %multiple_of3A_74] : memref<2x320000xi32, #tpu.memory_space<hbm>> -> memref<2x128xi32, #tpu.memory_space<hbm>>
        tpu.enqueue_dma source(%dma_start3A_119 : memref<2x128xi32, #tpu.memory_space<hbm>>) target(%arg7 : memref<2x128xi32, #tpu.memory_space<vmem>>) target_semaphore(%run_scoped3A_115 : memref<!tpu.dma_semaphore, #tpu.memory_space<semaphore_mem>>)
        %dma_wait3A_120 = arith.constant 0 : i32
        %dma_wait3A_121 = tpu.memref_slice %arg3[%dma_wait3A_120, %multiple_of3A_74] : memref<2x320000xi32, #tpu.memory_space<hbm>> -> memref<2x128xi32, #tpu.memory_space<hbm>>
        %dma_wait3A_122 = arith.constant 0 : i32
        %dma_wait3A_123 = tpu.memref_slice %arg3[%dma_wait3A_122, %multiple_of3A_74] : memref<2x320000xi32, #tpu.memory_space<hbm>> -> memref<2x128xi32, #tpu.memory_space<hbm>>
        tpu.wait_dma2 semaphore(%run_scoped3A_115 : memref<!tpu.dma_semaphore, #tpu.memory_space<semaphore_mem>>) src(%dma_wait3A_123 : memref<2x128xi32, #tpu.memory_space<hbm>>) dst(%arg7 : memref<2x128xi32, #tpu.memory_space<vmem>>)
        tpu.yield
      }) : () -> ()
      %dma_start3A_75 = arith.constant 0 : i32
      %dma_start3A_76 = arith.constant 0 : i32
      %dma_start3A_77 = tpu.memref_slice %arg7[%dma_start3A_75, %dma_start3A_76] : memref<2x128xi32, #tpu.memory_space<vmem>> -> memref<1x128xi32, #tpu.memory_space<vmem>>
      %dma_start3A_78 = tpu.memref_squeeze %dma_start3A_77 : memref<1x128xi32, #tpu.memory_space<vmem>> -> memref<128xi32, #tpu.memory_space<vmem>>
      %dma_start3A_79 = arith.constant 0 : i32
      %dma_start3A_80 = arith.constant 0 : i32
      %dma_start3A_81 = tpu.memref_slice %arg2[%dma_start3A_79, %dma_start3A_80] : memref<10112x128xf32, #tpu.memory_space<hbm>> -> memref<10112x128xf32, #tpu.memory_space<hbm>>
      tpu.enqueue_indirect_dma source(%dma_start3A_81 : memref<10112x128xf32, #tpu.memory_space<hbm>>) target(%arg9 : memref<128x128xf32, #tpu.memory_space<vmem>>) offsets(%dma_start3A_78 : memref<128xi32, #tpu.memory_space<vmem>>) semaphore(%arg11 : memref<!tpu.dma_semaphore, #tpu.memory_space<semaphore_mem>>)
      %dma_wait3A_82 = arith.constant 0 : i32
      %dma_wait3A_83 = arith.constant 0 : i32
      %dma_wait3A_84 = tpu.memref_slice %arg6[%dma_wait3A_82, %dma_wait3A_83] : memref<2x128xi32, #tpu.memory_space<vmem>> -> memref<1x128xi32, #tpu.memory_space<vmem>>
      %dma_wait3A_85 = tpu.memref_squeeze %dma_wait3A_84 : memref<1x128xi32, #tpu.memory_space<vmem>> -> memref<128xi32, #tpu.memory_space<vmem>>
      %dma_wait3A_86 = arith.constant 0 : i32
      %dma_wait3A_87 = arith.constant 0 : i32
      %dma_wait3A_88 = tpu.memref_slice %arg2[%dma_wait3A_86, %dma_wait3A_87] : memref<10112x128xf32, #tpu.memory_space<hbm>> -> memref<10112x128xf32, #tpu.memory_space<hbm>>
      tpu.wait_indirect_dma semaphore(%arg10 : memref<!tpu.dma_semaphore, #tpu.memory_space<semaphore_mem>>) src(%dma_wait3A_88 : memref<10112x128xf32, #tpu.memory_space<hbm>>) dst(%arg8 : memref<128x128xf32, #tpu.memory_space<vmem>>)
      %run_scoped3A = arith.constant 1 : i32
      "tpu.region"() ({
        %run_scoped3A_115 = tpu.sem_alloc : memref<!tpu.dma_semaphore, #tpu.memory_space<semaphore_mem>>
        %dma_start3A_116 = arith.constant 0 : i32
        %dma_start3A_117 = tpu.memref_slice %arg6[%run_scoped3A, %dma_start3A_116] : memref<2x128xi32, #tpu.memory_space<vmem>> -> memref<1x128xi32, #tpu.memory_space<vmem>>
        %dma_start3A_118 = tpu.memref_squeeze %dma_start3A_117 : memref<1x128xi32, #tpu.memory_space<vmem>> -> memref<128xi32, #tpu.memory_space<vmem>>
        %dma_start3A_119 = arith.constant 0 : i32
        %dma_start3A_120 = arith.constant 0 : i32
        %dma_start3A_121 = tpu.memref_slice %arg12[%dma_start3A_119, %dma_start3A_120] : memref<10112x128xf32, #tpu.memory_space<vmem_shared>> -> memref<10112x128xf32, #tpu.memory_space<vmem_shared>>
        tpu.enqueue_indirect_dma source(%arg8 : memref<128x128xf32, #tpu.memory_space<vmem>>) target(%dma_start3A_121 : memref<10112x128xf32, #tpu.memory_space<vmem_shared>>) offsets(%dma_start3A_118 : memref<128xi32, #tpu.memory_space<vmem>>) semaphore(%run_scoped3A_115 : memref<!tpu.dma_semaphore, #tpu.memory_space<semaphore_mem>>) {add = true}
        %dma_wait3A_122 = arith.constant 0 : i32
        %dma_wait3A_123 = tpu.memref_slice %arg6[%run_scoped3A, %dma_wait3A_122] : memref<2x128xi32, #tpu.memory_space<vmem>> -> memref<1x128xi32, #tpu.memory_space<vmem>>
        %dma_wait3A_124 = tpu.memref_squeeze %dma_wait3A_123 : memref<1x128xi32, #tpu.memory_space<vmem>> -> memref<128xi32, #tpu.memory_space<vmem>>
        %dma_wait3A_125 = arith.constant 0 : i32
        %dma_wait3A_126 = arith.constant 0 : i32
        %dma_wait3A_127 = tpu.memref_slice %arg12[%dma_wait3A_125, %dma_wait3A_126] : memref<10112x128xf32, #tpu.memory_space<vmem_shared>> -> memref<10112x128xf32, #tpu.memory_space<vmem_shared>>
        tpu.wait_indirect_dma semaphore(%run_scoped3A_115 : memref<!tpu.dma_semaphore, #tpu.memory_space<semaphore_mem>>) src(%arg8 : memref<128x128xf32, #tpu.memory_space<vmem>>) dst(%dma_wait3A_127 : memref<10112x128xf32, #tpu.memory_space<vmem_shared>>)
        tpu.yield
      }) : () -> ()
      %mul3A_89 = arith.constant 2 : i32
      %mul3A_90 = arith.muli %while3A_63, %mul3A_89 : i32
      %add3A_91 = arith.constant 1 : i32
      %add3A_92 = arith.addi %mul3A_90, %add3A_91 : i32
      %add3A_93 = arith.constant 1 : i32
      %add3A_94 = arith.addi %add3A_92, %add3A_93 : i32
      %rem3A_95 = arith.remsi %add3A_94, %add3A_6 : i32
      %add3A_96 = arith.addi %add3A_10, %rem3A_95 : i32
      %mul3A_97 = arith.constant 128 : i32
      %mul3A_98 = arith.muli %add3A_96, %mul3A_97 : i32
      %multiple_of3A_99 = tpu.assume_multiple %mul3A_98, 128 : i32
      "tpu.region"() ({
        %run_scoped3A_115 = tpu.sem_alloc : memref<!tpu.dma_semaphore, #tpu.memory_space<semaphore_mem>>
        %dma_start3A_116 = arith.constant 0 : i32
        %dma_start3A_117 = tpu.memref_slice %arg3[%dma_start3A_116, %multiple_of3A_99] : memref<2x320000xi32, #tpu.memory_space<hbm>> -> memref<2x128xi32, #tpu.memory_space<hbm>>
        %dma_start3A_118 = arith.constant 0 : i32
        %dma_start3A_119 = tpu.memref_slice %arg3[%dma_start3A_118, %multiple_of3A_99] : memref<2x320000xi32, #tpu.memory_space<hbm>> -> memref<2x128xi32, #tpu.memory_space<hbm>>
        tpu.enqueue_dma source(%dma_start3A_119 : memref<2x128xi32, #tpu.memory_space<hbm>>) target(%arg6 : memref<2x128xi32, #tpu.memory_space<vmem>>) target_semaphore(%run_scoped3A_115 : memref<!tpu.dma_semaphore, #tpu.memory_space<semaphore_mem>>)
        %dma_wait3A_120 = arith.constant 0 : i32
        %dma_wait3A_121 = tpu.memref_slice %arg3[%dma_wait3A_120, %multiple_of3A_99] : memref<2x320000xi32, #tpu.memory_space<hbm>> -> memref<2x128xi32, #tpu.memory_space<hbm>>
        %dma_wait3A_122 = arith.constant 0 : i32
        %dma_wait3A_123 = tpu.memref_slice %arg3[%dma_wait3A_122, %multiple_of3A_99] : memref<2x320000xi32, #tpu.memory_space<hbm>> -> memref<2x128xi32, #tpu.memory_space<hbm>>
        tpu.wait_dma2 semaphore(%run_scoped3A_115 : memref<!tpu.dma_semaphore, #tpu.memory_space<semaphore_mem>>) src(%dma_wait3A_123 : memref<2x128xi32, #tpu.memory_space<hbm>>) dst(%arg6 : memref<2x128xi32, #tpu.memory_space<vmem>>)
        tpu.yield
      }) : () -> ()
      %dma_start3A_100 = arith.constant 0 : i32
      %dma_start3A_101 = arith.constant 0 : i32
      %dma_start3A_102 = tpu.memref_slice %arg6[%dma_start3A_100, %dma_start3A_101] : memref<2x128xi32, #tpu.memory_space<vmem>> -> memref<1x128xi32, #tpu.memory_space<vmem>>
      %dma_start3A_103 = tpu.memref_squeeze %dma_start3A_102 : memref<1x128xi32, #tpu.memory_space<vmem>> -> memref<128xi32, #tpu.memory_space<vmem>>
      %dma_start3A_104 = arith.constant 0 : i32
      %dma_start3A_105 = arith.constant 0 : i32
      %dma_start3A_106 = tpu.memref_slice %arg2[%dma_start3A_104, %dma_start3A_105] : memref<10112x128xf32, #tpu.memory_space<hbm>> -> memref<10112x128xf32, #tpu.memory_space<hbm>>
      tpu.enqueue_indirect_dma source(%dma_start3A_106 : memref<10112x128xf32, #tpu.memory_space<hbm>>) target(%arg8 : memref<128x128xf32, #tpu.memory_space<vmem>>) offsets(%dma_start3A_103 : memref<128xi32, #tpu.memory_space<vmem>>) semaphore(%arg10 : memref<!tpu.dma_semaphore, #tpu.memory_space<semaphore_mem>>)
      %dma_wait3A_107 = arith.constant 0 : i32
      %dma_wait3A_108 = arith.constant 0 : i32
      %dma_wait3A_109 = tpu.memref_slice %arg7[%dma_wait3A_107, %dma_wait3A_108] : memref<2x128xi32, #tpu.memory_space<vmem>> -> memref<1x128xi32, #tpu.memory_space<vmem>>
      %dma_wait3A_110 = tpu.memref_squeeze %dma_wait3A_109 : memref<1x128xi32, #tpu.memory_space<vmem>> -> memref<128xi32, #tpu.memory_space<vmem>>
      %dma_wait3A_111 = arith.constant 0 : i32
      %dma_wait3A_112 = arith.constant 0 : i32
      %dma_wait3A_113 = tpu.memref_slice %arg2[%dma_wait3A_111, %dma_wait3A_112] : memref<10112x128xf32, #tpu.memory_space<hbm>> -> memref<10112x128xf32, #tpu.memory_space<hbm>>
      tpu.wait_indirect_dma semaphore(%arg11 : memref<!tpu.dma_semaphore, #tpu.memory_space<semaphore_mem>>) src(%dma_wait3A_113 : memref<10112x128xf32, #tpu.memory_space<hbm>>) dst(%arg9 : memref<128x128xf32, #tpu.memory_space<vmem>>)
      %run_scoped3A_114 = arith.constant 1 : i32
      "tpu.region"() ({
        %run_scoped3A_115 = tpu.sem_alloc : memref<!tpu.dma_semaphore, #tpu.memory_space<semaphore_mem>>
        %dma_start3A_116 = arith.constant 0 : i32
        %dma_start3A_117 = tpu.memref_slice %arg7[%run_scoped3A_114, %dma_start3A_116] : memref<2x128xi32, #tpu.memory_space<vmem>> -> memref<1x128xi32, #tpu.memory_space<vmem>>
        %dma_start3A_118 = tpu.memref_squeeze %dma_start3A_117 : memref<1x128xi32, #tpu.memory_space<vmem>> -> memref<128xi32, #tpu.memory_space<vmem>>
        %dma_start3A_119 = arith.constant 0 : i32
        %dma_start3A_120 = arith.constant 0 : i32
        %dma_start3A_121 = tpu.memref_slice %arg12[%dma_start3A_119, %dma_start3A_120] : memref<10112x128xf32, #tpu.memory_space<vmem_shared>> -> memref<10112x128xf32, #tpu.memory_space<vmem_shared>>
        tpu.enqueue_indirect_dma source(%arg9 : memref<128x128xf32, #tpu.memory_space<vmem>>) target(%dma_start3A_121 : memref<10112x128xf32, #tpu.memory_space<vmem_shared>>) offsets(%dma_start3A_118 : memref<128xi32, #tpu.memory_space<vmem>>) semaphore(%run_scoped3A_115 : memref<!tpu.dma_semaphore, #tpu.memory_space<semaphore_mem>>) {add = true}
        %dma_wait3A_122 = arith.constant 0 : i32
        %dma_wait3A_123 = tpu.memref_slice %arg7[%run_scoped3A_114, %dma_wait3A_122] : memref<2x128xi32, #tpu.memory_space<vmem>> -> memref<1x128xi32, #tpu.memory_space<vmem>>
        %dma_wait3A_124 = tpu.memref_squeeze %dma_wait3A_123 : memref<1x128xi32, #tpu.memory_space<vmem>> -> memref<128xi32, #tpu.memory_space<vmem>>
        %dma_wait3A_125 = arith.constant 0 : i32
        %dma_wait3A_126 = arith.constant 0 : i32
        %dma_wait3A_127 = tpu.memref_slice %arg12[%dma_wait3A_125, %dma_wait3A_126] : memref<10112x128xf32, #tpu.memory_space<vmem_shared>> -> memref<10112x128xf32, #tpu.memory_space<vmem_shared>>
        tpu.wait_indirect_dma semaphore(%run_scoped3A_115 : memref<!tpu.dma_semaphore, #tpu.memory_space<semaphore_mem>>) src(%arg9 : memref<128x128xf32, #tpu.memory_space<vmem>>) dst(%dma_wait3A_127 : memref<10112x128xf32, #tpu.memory_space<vmem_shared>>)
        tpu.yield
      }) : () -> ()
    }
    %while3A_48 = arith.constant 1 : i32
    scf.for %while3A_63 = %while3A_46 to %while3A_42 step %while3A_48  : i32 {
      %mul3A_64 = arith.constant 2 : i32
      %mul3A_65 = arith.muli %while3A_63, %mul3A_64 : i32
      %add3A_66 = arith.constant 0 : i32
      %add3A_67 = arith.addi %mul3A_65, %add3A_66 : i32
      %add3A_68 = arith.constant 1 : i32
      %add3A_69 = arith.addi %add3A_67, %add3A_68 : i32
      %rem3A_70 = arith.remsi %add3A_69, %add3A_6 : i32
      %add3A_71 = arith.addi %add3A_10, %rem3A_70 : i32
      %mul3A_72 = arith.constant 128 : i32
      %mul3A_73 = arith.muli %add3A_71, %mul3A_72 : i32
      %multiple_of3A_74 = tpu.assume_multiple %mul3A_73, 128 : i32
      "tpu.region"() ({
        %run_scoped3A_115 = tpu.sem_alloc : memref<!tpu.dma_semaphore, #tpu.memory_space<semaphore_mem>>
        %dma_start3A_116 = arith.constant 0 : i32
        %dma_start3A_117 = tpu.memref_slice %arg3[%dma_start3A_116, %multiple_of3A_74] : memref<2x320000xi32, #tpu.memory_space<hbm>> -> memref<2x128xi32, #tpu.memory_space<hbm>>
        %dma_start3A_118 = arith.constant 0 : i32
        %dma_start3A_119 = tpu.memref_slice %arg3[%dma_start3A_118, %multiple_of3A_74] : memref<2x320000xi32, #tpu.memory_space<hbm>> -> memref<2x128xi32, #tpu.memory_space<hbm>>
        tpu.enqueue_dma source(%dma_start3A_119 : memref<2x128xi32, #tpu.memory_space<hbm>>) target(%arg7 : memref<2x128xi32, #tpu.memory_space<vmem>>) target_semaphore(%run_scoped3A_115 : memref<!tpu.dma_semaphore, #tpu.memory_space<semaphore_mem>>)
        %dma_wait3A_120 = arith.constant 0 : i32
        %dma_wait3A_121 = tpu.memref_slice %arg3[%dma_wait3A_120, %multiple_of3A_74] : memref<2x320000xi32, #tpu.memory_space<hbm>> -> memref<2x128xi32, #tpu.memory_space<hbm>>
        %dma_wait3A_122 = arith.constant 0 : i32
        %dma_wait3A_123 = tpu.memref_slice %arg3[%dma_wait3A_122, %multiple_of3A_74] : memref<2x320000xi32, #tpu.memory_space<hbm>> -> memref<2x128xi32, #tpu.memory_space<hbm>>
        tpu.wait_dma2 semaphore(%run_scoped3A_115 : memref<!tpu.dma_semaphore, #tpu.memory_space<semaphore_mem>>) src(%dma_wait3A_123 : memref<2x128xi32, #tpu.memory_space<hbm>>) dst(%arg7 : memref<2x128xi32, #tpu.memory_space<vmem>>)
        tpu.yield
      }) : () -> ()
      %dma_start3A_75 = arith.constant 0 : i32
      %dma_start3A_76 = arith.constant 0 : i32
      %dma_start3A_77 = tpu.memref_slice %arg7[%dma_start3A_75, %dma_start3A_76] : memref<2x128xi32, #tpu.memory_space<vmem>> -> memref<1x128xi32, #tpu.memory_space<vmem>>
      %dma_start3A_78 = tpu.memref_squeeze %dma_start3A_77 : memref<1x128xi32, #tpu.memory_space<vmem>> -> memref<128xi32, #tpu.memory_space<vmem>>
      %dma_start3A_79 = arith.constant 0 : i32
      %dma_start3A_80 = arith.constant 0 : i32
      %dma_start3A_81 = tpu.memref_slice %arg2[%dma_start3A_79, %dma_start3A_80] : memref<10112x128xf32, #tpu.memory_space<hbm>> -> memref<10112x128xf32, #tpu.memory_space<hbm>>
      tpu.enqueue_indirect_dma source(%dma_start3A_81 : memref<10112x128xf32, #tpu.memory_space<hbm>>) target(%arg9 : memref<128x128xf32, #tpu.memory_space<vmem>>) offsets(%dma_start3A_78 : memref<128xi32, #tpu.memory_space<vmem>>) semaphore(%arg11 : memref<!tpu.dma_semaphore, #tpu.memory_space<semaphore_mem>>)
      %dma_wait3A_82 = arith.constant 0 : i32
      %dma_wait3A_83 = arith.constant 0 : i32
      %dma_wait3A_84 = tpu.memref_slice %arg6[%dma_wait3A_82, %dma_wait3A_83] : memref<2x128xi32, #tpu.memory_space<vmem>> -> memref<1x128xi32, #tpu.memory_space<vmem>>
      %dma_wait3A_85 = tpu.memref_squeeze %dma_wait3A_84 : memref<1x128xi32, #tpu.memory_space<vmem>> -> memref<128xi32, #tpu.memory_space<vmem>>
      %dma_wait3A_86 = arith.constant 0 : i32
      %dma_wait3A_87 = arith.constant 0 : i32
      %dma_wait3A_88 = tpu.memref_slice %arg2[%dma_wait3A_86, %dma_wait3A_87] : memref<10112x128xf32, #tpu.memory_space<hbm>> -> memref<10112x128xf32, #tpu.memory_space<hbm>>
      tpu.wait_indirect_dma semaphore(%arg10 : memref<!tpu.dma_semaphore, #tpu.memory_space<semaphore_mem>>) src(%dma_wait3A_88 : memref<10112x128xf32, #tpu.memory_space<hbm>>) dst(%arg8 : memref<128x128xf32, #tpu.memory_space<vmem>>)
      %run_scoped3A = arith.constant 1 : i32
      "tpu.region"() ({
        %run_scoped3A_115 = tpu.sem_alloc : memref<!tpu.dma_semaphore, #tpu.memory_space<semaphore_mem>>
        %dma_start3A_116 = arith.constant 0 : i32
        %dma_start3A_117 = tpu.memref_slice %arg6[%run_scoped3A, %dma_start3A_116] : memref<2x128xi32, #tpu.memory_space<vmem>> -> memref<1x128xi32, #tpu.memory_space<vmem>>
        %dma_start3A_118 = tpu.memref_squeeze %dma_start3A_117 : memref<1x128xi32, #tpu.memory_space<vmem>> -> memref<128xi32, #tpu.memory_space<vmem>>
        %dma_start3A_119 = arith.constant 0 : i32
        %dma_start3A_120 = arith.constant 0 : i32
        %dma_start3A_121 = tpu.memref_slice %arg12[%dma_start3A_119, %dma_start3A_120] : memref<10112x128xf32, #tpu.memory_space<vmem_shared>> -> memref<10112x128xf32, #tpu.memory_space<vmem_shared>>
        tpu.enqueue_indirect_dma source(%arg8 : memref<128x128xf32, #tpu.memory_space<vmem>>) target(%dma_start3A_121 : memref<10112x128xf32, #tpu.memory_space<vmem_shared>>) offsets(%dma_start3A_118 : memref<128xi32, #tpu.memory_space<vmem>>) semaphore(%run_scoped3A_115 : memref<!tpu.dma_semaphore, #tpu.memory_space<semaphore_mem>>) {add = true}
        %dma_wait3A_122 = arith.constant 0 : i32
        %dma_wait3A_123 = tpu.memref_slice %arg6[%run_scoped3A, %dma_wait3A_122] : memref<2x128xi32, #tpu.memory_space<vmem>> -> memref<1x128xi32, #tpu.memory_space<vmem>>
        %dma_wait3A_124 = tpu.memref_squeeze %dma_wait3A_123 : memref<1x128xi32, #tpu.memory_space<vmem>> -> memref<128xi32, #tpu.memory_space<vmem>>
        %dma_wait3A_125 = arith.constant 0 : i32
        %dma_wait3A_126 = arith.constant 0 : i32
        %dma_wait3A_127 = tpu.memref_slice %arg12[%dma_wait3A_125, %dma_wait3A_126] : memref<10112x128xf32, #tpu.memory_space<vmem_shared>> -> memref<10112x128xf32, #tpu.memory_space<vmem_shared>>
        tpu.wait_indirect_dma semaphore(%run_scoped3A_115 : memref<!tpu.dma_semaphore, #tpu.memory_space<semaphore_mem>>) src(%arg8 : memref<128x128xf32, #tpu.memory_space<vmem>>) dst(%dma_wait3A_127 : memref<10112x128xf32, #tpu.memory_space<vmem_shared>>)
        tpu.yield
      }) : () -> ()
      %mul3A_89 = arith.constant 2 : i32
      %mul3A_90 = arith.muli %while3A_63, %mul3A_89 : i32
      %add3A_91 = arith.constant 1 : i32
      %add3A_92 = arith.addi %mul3A_90, %add3A_91 : i32
      %add3A_93 = arith.constant 1 : i32
      %add3A_94 = arith.addi %add3A_92, %add3A_93 : i32
      %rem3A_95 = arith.remsi %add3A_94, %add3A_6 : i32
      %add3A_96 = arith.addi %add3A_10, %rem3A_95 : i32
      %mul3A_97 = arith.constant 128 : i32
      %mul3A_98 = arith.muli %add3A_96, %mul3A_97 : i32
      %multiple_of3A_99 = tpu.assume_multiple %mul3A_98, 128 : i32
      "tpu.region"() ({
        %run_scoped3A_115 = tpu.sem_alloc : memref<!tpu.dma_semaphore, #tpu.memory_space<semaphore_mem>>
        %dma_start3A_116 = arith.constant 0 : i32
        %dma_start3A_117 = tpu.memref_slice %arg3[%dma_start3A_116, %multiple_of3A_99] : memref<2x320000xi32, #tpu.memory_space<hbm>> -> memref<2x128xi32, #tpu.memory_space<hbm>>
        %dma_start3A_118 = arith.constant 0 : i32
        %dma_start3A_119 = tpu.memref_slice %arg3[%dma_start3A_118, %multiple_of3A_99] : memref<2x320000xi32, #tpu.memory_space<hbm>> -> memref<2x128xi32, #tpu.memory_space<hbm>>
        tpu.enqueue_dma source(%dma_start3A_119 : memref<2x128xi32, #tpu.memory_space<hbm>>) target(%arg6 : memref<2x128xi32, #tpu.memory_space<vmem>>) target_semaphore(%run_scoped3A_115 : memref<!tpu.dma_semaphore, #tpu.memory_space<semaphore_mem>>)
        %dma_wait3A_120 = arith.constant 0 : i32
        %dma_wait3A_121 = tpu.memref_slice %arg3[%dma_wait3A_120, %multiple_of3A_99] : memref<2x320000xi32, #tpu.memory_space<hbm>> -> memref<2x128xi32, #tpu.memory_space<hbm>>
        %dma_wait3A_122 = arith.constant 0 : i32
        %dma_wait3A_123 = tpu.memref_slice %arg3[%dma_wait3A_122, %multiple_of3A_99] : memref<2x320000xi32, #tpu.memory_space<hbm>> -> memref<2x128xi32, #tpu.memory_space<hbm>>
        tpu.wait_dma2 semaphore(%run_scoped3A_115 : memref<!tpu.dma_semaphore, #tpu.memory_space<semaphore_mem>>) src(%dma_wait3A_123 : memref<2x128xi32, #tpu.memory_space<hbm>>) dst(%arg6 : memref<2x128xi32, #tpu.memory_space<vmem>>)
        tpu.yield
      }) : () -> ()
      %dma_start3A_100 = arith.constant 0 : i32
      %dma_start3A_101 = arith.constant 0 : i32
      %dma_start3A_102 = tpu.memref_slice %arg6[%dma_start3A_100, %dma_start3A_101] : memref<2x128xi32, #tpu.memory_space<vmem>> -> memref<1x128xi32, #tpu.memory_space<vmem>>
      %dma_start3A_103 = tpu.memref_squeeze %dma_start3A_102 : memref<1x128xi32, #tpu.memory_space<vmem>> -> memref<128xi32, #tpu.memory_space<vmem>>
      %dma_start3A_104 = arith.constant 0 : i32
      %dma_start3A_105 = arith.constant 0 : i32
      %dma_start3A_106 = tpu.memref_slice %arg2[%dma_start3A_104, %dma_start3A_105] : memref<10112x128xf32, #tpu.memory_space<hbm>> -> memref<10112x128xf32, #tpu.memory_space<hbm>>
      tpu.enqueue_indirect_dma source(%dma_start3A_106 : memref<10112x128xf32, #tpu.memory_space<hbm>>) target(%arg8 : memref<128x128xf32, #tpu.memory_space<vmem>>) offsets(%dma_start3A_103 : memref<128xi32, #tpu.memory_space<vmem>>) semaphore(%arg10 : memref<!tpu.dma_semaphore, #tpu.memory_space<semaphore_mem>>)
      %dma_wait3A_107 = arith.constant 0 : i32
      %dma_wait3A_108 = arith.constant 0 : i32
      %dma_wait3A_109 = tpu.memref_slice %arg7[%dma_wait3A_107, %dma_wait3A_108] : memref<2x128xi32, #tpu.memory_space<vmem>> -> memref<1x128xi32, #tpu.memory_space<vmem>>
      %dma_wait3A_110 = tpu.memref_squeeze %dma_wait3A_109 : memref<1x128xi32, #tpu.memory_space<vmem>> -> memref<128xi32, #tpu.memory_space<vmem>>
      %dma_wait3A_111 = arith.constant 0 : i32
      %dma_wait3A_112 = arith.constant 0 : i32
      %dma_wait3A_113 = tpu.memref_slice %arg2[%dma_wait3A_111, %dma_wait3A_112] : memref<10112x128xf32, #tpu.memory_space<hbm>> -> memref<10112x128xf32, #tpu.memory_space<hbm>>
      tpu.wait_indirect_dma semaphore(%arg11 : memref<!tpu.dma_semaphore, #tpu.memory_space<semaphore_mem>>) src(%dma_wait3A_113 : memref<10112x128xf32, #tpu.memory_space<hbm>>) dst(%arg9 : memref<128x128xf32, #tpu.memory_space<vmem>>)
      %run_scoped3A_114 = arith.constant 1 : i32
      "tpu.region"() ({
        %run_scoped3A_115 = tpu.sem_alloc : memref<!tpu.dma_semaphore, #tpu.memory_space<semaphore_mem>>
        %dma_start3A_116 = arith.constant 0 : i32
        %dma_start3A_117 = tpu.memref_slice %arg7[%run_scoped3A_114, %dma_start3A_116] : memref<2x128xi32, #tpu.memory_space<vmem>> -> memref<1x128xi32, #tpu.memory_space<vmem>>
        %dma_start3A_118 = tpu.memref_squeeze %dma_start3A_117 : memref<1x128xi32, #tpu.memory_space<vmem>> -> memref<128xi32, #tpu.memory_space<vmem>>
        %dma_start3A_119 = arith.constant 0 : i32
        %dma_start3A_120 = arith.constant 0 : i32
        %dma_start3A_121 = tpu.memref_slice %arg12[%dma_start3A_119, %dma_start3A_120] : memref<10112x128xf32, #tpu.memory_space<vmem_shared>> -> memref<10112x128xf32, #tpu.memory_space<vmem_shared>>
        tpu.enqueue_indirect_dma source(%arg9 : memref<128x128xf32, #tpu.memory_space<vmem>>) target(%dma_start3A_121 : memref<10112x128xf32, #tpu.memory_space<vmem_shared>>) offsets(%dma_start3A_118 : memref<128xi32, #tpu.memory_space<vmem>>) semaphore(%run_scoped3A_115 : memref<!tpu.dma_semaphore, #tpu.memory_space<semaphore_mem>>) {add = true}
        %dma_wait3A_122 = arith.constant 0 : i32
        %dma_wait3A_123 = tpu.memref_slice %arg7[%run_scoped3A_114, %dma_wait3A_122] : memref<2x128xi32, #tpu.memory_space<vmem>> -> memref<1x128xi32, #tpu.memory_space<vmem>>
        %dma_wait3A_124 = tpu.memref_squeeze %dma_wait3A_123 : memref<1x128xi32, #tpu.memory_space<vmem>> -> memref<128xi32, #tpu.memory_space<vmem>>
        %dma_wait3A_125 = arith.constant 0 : i32
        %dma_wait3A_126 = arith.constant 0 : i32
        %dma_wait3A_127 = tpu.memref_slice %arg12[%dma_wait3A_125, %dma_wait3A_126] : memref<10112x128xf32, #tpu.memory_space<vmem_shared>> -> memref<10112x128xf32, #tpu.memory_space<vmem_shared>>
        tpu.wait_indirect_dma semaphore(%run_scoped3A_115 : memref<!tpu.dma_semaphore, #tpu.memory_space<semaphore_mem>>) src(%arg9 : memref<128x128xf32, #tpu.memory_space<vmem>>) dst(%dma_wait3A_127 : memref<10112x128xf32, #tpu.memory_space<vmem_shared>>)
        tpu.yield
      }) : () -> ()
    }
    %dma_wait3A = arith.constant 0 : i32
    %dma_wait3A_49 = arith.constant 0 : i32
    %dma_wait3A_50 = tpu.memref_slice %arg6[%dma_wait3A, %dma_wait3A_49] : memref<2x128xi32, #tpu.memory_space<vmem>> -> memref<1x128xi32, #tpu.memory_space<vmem>>
    %dma_wait3A_51 = tpu.memref_squeeze %dma_wait3A_50 : memref<1x128xi32, #tpu.memory_space<vmem>> -> memref<128xi32, #tpu.memory_space<vmem>>
    %dma_wait3A_52 = arith.constant 0 : i32
    %dma_wait3A_53 = arith.constant 0 : i32
    %dma_wait3A_54 = tpu.memref_slice %arg2[%dma_wait3A_52, %dma_wait3A_53] : memref<10112x128xf32, #tpu.memory_space<hbm>> -> memref<10112x128xf32, #tpu.memory_space<hbm>>
    tpu.wait_indirect_dma semaphore(%arg10 : memref<!tpu.dma_semaphore, #tpu.memory_space<semaphore_mem>>) src(%dma_wait3A_54 : memref<10112x128xf32, #tpu.memory_space<hbm>>) dst(%arg8 : memref<128x128xf32, #tpu.memory_space<vmem>>)
    %rem3A_55 = arith.constant 2 : i32
    %rem3A_56 = arith.remsi %add3A_6, %rem3A_55 : i32
    %eq3A = arith.constant 1 : i32
    %eq3A_57 = arith.cmpi eq, %rem3A_56, %eq3A : i32
    %convert_element_type3A = arith.extui %eq3A_57 : i1 to i32
    %cond3A = arith.constant 0 : i32
    %cond3A_58 = arith.cmpi ne, %convert_element_type3A, %cond3A : i32
    scf.if %cond3A_58 {
      %sub3A_63 = arith.constant 1 : i32
      %sub3A_64 = arith.subi %add3A_6, %sub3A_63 : i32
      %add3A_65 = arith.addi %add3A_10, %sub3A_64 : i32
      %mul3A_66 = arith.constant 128 : i32
      %mul3A_67 = arith.muli %add3A_65, %mul3A_66 : i32
      %multiple_of3A_68 = tpu.assume_multiple %mul3A_67, 128 : i32
      "tpu.region"() ({
        %run_scoped3A_83 = tpu.sem_alloc : memref<!tpu.dma_semaphore, #tpu.memory_space<semaphore_mem>>
        %dma_start3A_84 = arith.constant 0 : i32
        %dma_start3A_85 = tpu.memref_slice %arg3[%dma_start3A_84, %multiple_of3A_68] : memref<2x320000xi32, #tpu.memory_space<hbm>> -> memref<2x128xi32, #tpu.memory_space<hbm>>
        %dma_start3A_86 = arith.constant 0 : i32
        %dma_start3A_87 = tpu.memref_slice %arg3[%dma_start3A_86, %multiple_of3A_68] : memref<2x320000xi32, #tpu.memory_space<hbm>> -> memref<2x128xi32, #tpu.memory_space<hbm>>
        tpu.enqueue_dma source(%dma_start3A_87 : memref<2x128xi32, #tpu.memory_space<hbm>>) target(%arg6 : memref<2x128xi32, #tpu.memory_space<vmem>>) target_semaphore(%run_scoped3A_83 : memref<!tpu.dma_semaphore, #tpu.memory_space<semaphore_mem>>)
        %dma_wait3A_88 = arith.constant 0 : i32
        %dma_wait3A_89 = tpu.memref_slice %arg3[%dma_wait3A_88, %multiple_of3A_68] : memref<2x320000xi32, #tpu.memory_space<hbm>> -> memref<2x128xi32, #tpu.memory_space<hbm>>
        %dma_wait3A_90 = arith.constant 0 : i32
        %dma_wait3A_91 = tpu.memref_slice %arg3[%dma_wait3A_90, %multiple_of3A_68] : memref<2x320000xi32, #tpu.memory_space<hbm>> -> memref<2x128xi32, #tpu.memory_space<hbm>>
        tpu.wait_dma2 semaphore(%run_scoped3A_83 : memref<!tpu.dma_semaphore, #tpu.memory_space<semaphore_mem>>) src(%dma_wait3A_91 : memref<2x128xi32, #tpu.memory_space<hbm>>) dst(%arg6 : memref<2x128xi32, #tpu.memory_space<vmem>>)
        tpu.yield
      }) : () -> ()
      %dma_start3A_69 = arith.constant 0 : i32
      %dma_start3A_70 = arith.constant 0 : i32
      %dma_start3A_71 = tpu.memref_slice %arg6[%dma_start3A_69, %dma_start3A_70] : memref<2x128xi32, #tpu.memory_space<vmem>> -> memref<1x128xi32, #tpu.memory_space<vmem>>
      %dma_start3A_72 = tpu.memref_squeeze %dma_start3A_71 : memref<1x128xi32, #tpu.memory_space<vmem>> -> memref<128xi32, #tpu.memory_space<vmem>>
      %dma_start3A_73 = arith.constant 0 : i32
      %dma_start3A_74 = arith.constant 0 : i32
      %dma_start3A_75 = tpu.memref_slice %arg2[%dma_start3A_73, %dma_start3A_74] : memref<10112x128xf32, #tpu.memory_space<hbm>> -> memref<10112x128xf32, #tpu.memory_space<hbm>>
      tpu.enqueue_indirect_dma source(%dma_start3A_75 : memref<10112x128xf32, #tpu.memory_space<hbm>>) target(%arg8 : memref<128x128xf32, #tpu.memory_space<vmem>>) offsets(%dma_start3A_72 : memref<128xi32, #tpu.memory_space<vmem>>) semaphore(%arg10 : memref<!tpu.dma_semaphore, #tpu.memory_space<semaphore_mem>>)
      %dma_wait3A_76 = arith.constant 0 : i32
      %dma_wait3A_77 = arith.constant 0 : i32
      %dma_wait3A_78 = tpu.memref_slice %arg6[%dma_wait3A_76, %dma_wait3A_77] : memref<2x128xi32, #tpu.memory_space<vmem>> -> memref<1x128xi32, #tpu.memory_space<vmem>>
      %dma_wait3A_79 = tpu.memref_squeeze %dma_wait3A_78 : memref<1x128xi32, #tpu.memory_space<vmem>> -> memref<128xi32, #tpu.memory_space<vmem>>
      %dma_wait3A_80 = arith.constant 0 : i32
      %dma_wait3A_81 = arith.constant 0 : i32
      %dma_wait3A_82 = tpu.memref_slice %arg2[%dma_wait3A_80, %dma_wait3A_81] : memref<10112x128xf32, #tpu.memory_space<hbm>> -> memref<10112x128xf32, #tpu.memory_space<hbm>>
      tpu.wait_indirect_dma semaphore(%arg10 : memref<!tpu.dma_semaphore, #tpu.memory_space<semaphore_mem>>) src(%dma_wait3A_82 : memref<10112x128xf32, #tpu.memory_space<hbm>>) dst(%arg8 : memref<128x128xf32, #tpu.memory_space<vmem>>)
      %run_scoped3A = arith.constant 1 : i32
      "tpu.region"() ({
        %run_scoped3A_83 = tpu.sem_alloc : memref<!tpu.dma_semaphore, #tpu.memory_space<semaphore_mem>>
        %dma_start3A_84 = arith.constant 0 : i32
        %dma_start3A_85 = tpu.memref_slice %arg6[%run_scoped3A, %dma_start3A_84] : memref<2x128xi32, #tpu.memory_space<vmem>> -> memref<1x128xi32, #tpu.memory_space<vmem>>
        %dma_start3A_86 = tpu.memref_squeeze %dma_start3A_85 : memref<1x128xi32, #tpu.memory_space<vmem>> -> memref<128xi32, #tpu.memory_space<vmem>>
        %dma_start3A_87 = arith.constant 0 : i32
        %dma_start3A_88 = arith.constant 0 : i32
        %dma_start3A_89 = tpu.memref_slice %arg12[%dma_start3A_87, %dma_start3A_88] : memref<10112x128xf32, #tpu.memory_space<vmem_shared>> -> memref<10112x128xf32, #tpu.memory_space<vmem_shared>>
        tpu.enqueue_indirect_dma source(%arg8 : memref<128x128xf32, #tpu.memory_space<vmem>>) target(%dma_start3A_89 : memref<10112x128xf32, #tpu.memory_space<vmem_shared>>) offsets(%dma_start3A_86 : memref<128xi32, #tpu.memory_space<vmem>>) semaphore(%run_scoped3A_83 : memref<!tpu.dma_semaphore, #tpu.memory_space<semaphore_mem>>) {add = true}
        %dma_wait3A_90 = arith.constant 0 : i32
        %dma_wait3A_91 = tpu.memref_slice %arg6[%run_scoped3A, %dma_wait3A_90] : memref<2x128xi32, #tpu.memory_space<vmem>> -> memref<1x128xi32, #tpu.memory_space<vmem>>
        %dma_wait3A_92 = tpu.memref_squeeze %dma_wait3A_91 : memref<1x128xi32, #tpu.memory_space<vmem>> -> memref<128xi32, #tpu.memory_space<vmem>>
        %dma_wait3A_93 = arith.constant 0 : i32
        %dma_wait3A_94 = arith.constant 0 : i32
        %dma_wait3A_95 = tpu.memref_slice %arg12[%dma_wait3A_93, %dma_wait3A_94] : memref<10112x128xf32, #tpu.memory_space<vmem_shared>> -> memref<10112x128xf32, #tpu.memory_space<vmem_shared>>
        tpu.wait_indirect_dma semaphore(%run_scoped3A_83 : memref<!tpu.dma_semaphore, #tpu.memory_space<semaphore_mem>>) src(%arg8 : memref<128x128xf32, #tpu.memory_space<vmem>>) dst(%dma_wait3A_95 : memref<10112x128xf32, #tpu.memory_space<vmem_shared>>)
        tpu.yield
      }) : () -> ()
    } else {
    }
    %barrier3A_59 = arith.constant 0 : index
    tpu.barrier barrier_id(%barrier3A_59)
    %mul3A_60 = arith.constant 10112 : i32
    %mul3A_61 = arith.muli %arg0, %mul3A_60 : i32
    %add3A_62 = arith.addi %mul3A_61, %mul3A_2 : i32
    "tpu.region"() ({
      %run_scoped3A = tpu.sem_alloc : memref<!tpu.dma_semaphore, #tpu.memory_space<semaphore_mem>>
      %dma_start3A_63 = arith.constant 0 : i32
      %dma_start3A_64 = tpu.memref_slice %arg5[%add3A_62, %dma_start3A_63] : memref<20224x128xf32, #tpu.memory_space<hbm>> -> memref<632x128xf32, #tpu.memory_space<hbm>>
      %dma_start3A_65 = arith.constant 0 : i32
      %dma_start3A_66 = tpu.memref_slice %arg12[%mul3A_2, %dma_start3A_65] : memref<10112x128xf32, #tpu.memory_space<vmem_shared>> -> memref<632x128xf32, #tpu.memory_space<vmem_shared>>
      tpu.enqueue_dma source(%dma_start3A_66 : memref<632x128xf32, #tpu.memory_space<vmem_shared>>) target(%dma_start3A_64 : memref<632x128xf32, #tpu.memory_space<hbm>>) target_semaphore(%run_scoped3A : memref<!tpu.dma_semaphore, #tpu.memory_space<semaphore_mem>>)
      %dma_wait3A_67 = arith.constant 0 : i32
      %dma_wait3A_68 = tpu.memref_slice %arg5[%add3A_62, %dma_wait3A_67] : memref<20224x128xf32, #tpu.memory_space<hbm>> -> memref<632x128xf32, #tpu.memory_space<hbm>>
      %dma_wait3A_69 = arith.constant 0 : i32
      %dma_wait3A_70 = tpu.memref_slice %arg12[%mul3A_2, %dma_wait3A_69] : memref<10112x128xf32, #tpu.memory_space<vmem_shared>> -> memref<632x128xf32, #tpu.memory_space<vmem_shared>>
      tpu.wait_dma2 semaphore(%run_scoped3A : memref<!tpu.dma_semaphore, #tpu.memory_space<semaphore_mem>>) src(%dma_wait3A_70 : memref<632x128xf32, #tpu.memory_space<vmem_shared>>) dst(%dma_wait3A_68 : memref<632x128xf32, #tpu.memory_space<hbm>>)
      tpu.yield
    }) : () -> ()
    return
  }
}

#map = affine_map<(d0, d1) -> (0, 0)>
module attributes {stable_mosaic.version = 14 : i64} {
  func.func @sc_kernel(%arg0: i32, %arg1: i32, %arg2: memref<10000x128xf32, #tpu.memory_space<hbm>>, %arg3: memref<2x320000xi32, #tpu.memory_space<hbm>>, %arg4: memref<10112x128xf32, #tpu.memory_space<hbm>>, %arg5: memref<20224x128xf32, #tpu.memory_space<hbm>>, %arg6: memref<160x128xf32, #tpu.memory_space<hbm>>, %arg7: memref<2x128xi32, #tpu.memory_space<vmem>>, %arg8: memref<2x128xi32, #tpu.memory_space<vmem>>, %arg9: memref<128x128xf32, #tpu.memory_space<vmem>>, %arg10: memref<128x128xf32, #tpu.memory_space<vmem>>, %arg11: memref<!tpu.dma_semaphore, #tpu.memory_space<semaphore_mem>>, %arg12: memref<!tpu.dma_semaphore, #tpu.memory_space<semaphore_mem>>, %arg13: memref<10112x128xf32, #tpu.memory_space<vmem_shared>>, %arg14: memref<80x128xf32, #tpu.memory_space<vmem>>, %arg15: memref<80xi32, #tpu.memory_space<vmem>>, %arg16: memref<80x128xf32, #tpu.memory_space<vmem_shared>>) attributes {dimension_semantics = [#tpu.dimension_semantics<core_parallel>, #tpu.dimension_semantics<subcore_parallel>], iteration_bounds = array<i64: 2, 16>, scalar_prefetch = 0 : i64, scratch_operands = 10 : i64, tpu.core_type = #tpu.core_type<sc_vector_subcore>, window_params = [{transform_indices = #map}, {transform_indices = #map}, {transform_indices = #map}, {transform_indices = #map}, {transform_indices = #map}]} {
    %mul3A = arith.constant 2 : i32
    %mul3A_0 = arith.muli %arg1, %mul3A : i32
    %add3A = arith.addi %mul3A_0, %arg0 : i32
    %mul3A_1 = arith.constant 632 : i32
    %mul3A_2 = arith.muli %arg1, %mul3A_1 : i32
    "tpu.region"() ({
      %run_scoped3A = tpu.sem_alloc : memref<!tpu.dma_semaphore, #tpu.memory_space<semaphore_mem>>
      %dma_start3A_101 = arith.constant 0 : i32
      %dma_start3A_102 = tpu.memref_slice %arg13[%mul3A_2, %dma_start3A_101] : memref<10112x128xf32, #tpu.memory_space<vmem_shared>> -> memref<632x128xf32, #tpu.memory_space<vmem_shared>>
      %dma_start3A_103 = arith.constant 0 : i32
      %dma_start3A_104 = tpu.memref_slice %arg4[%mul3A_2, %dma_start3A_103] : memref<10112x128xf32, #tpu.memory_space<hbm>> -> memref<632x128xf32, #tpu.memory_space<hbm>>
      tpu.enqueue_dma source(%dma_start3A_104 : memref<632x128xf32, #tpu.memory_space<hbm>>) target(%dma_start3A_102 : memref<632x128xf32, #tpu.memory_space<vmem_shared>>) target_semaphore(%run_scoped3A : memref<!tpu.dma_semaphore, #tpu.memory_space<semaphore_mem>>)
      %dma_wait3A_105 = arith.constant 0 : i32
      %dma_wait3A_106 = tpu.memref_slice %arg13[%mul3A_2, %dma_wait3A_105] : memref<10112x128xf32, #tpu.memory_space<vmem_shared>> -> memref<632x128xf32, #tpu.memory_space<vmem_shared>>
      %dma_wait3A_107 = arith.constant 0 : i32
      %dma_wait3A_108 = tpu.memref_slice %arg4[%mul3A_2, %dma_wait3A_107] : memref<10112x128xf32, #tpu.memory_space<hbm>> -> memref<632x128xf32, #tpu.memory_space<hbm>>
      tpu.wait_dma2 semaphore(%run_scoped3A : memref<!tpu.dma_semaphore, #tpu.memory_space<semaphore_mem>>) src(%dma_wait3A_108 : memref<632x128xf32, #tpu.memory_space<hbm>>) dst(%dma_wait3A_106 : memref<632x128xf32, #tpu.memory_space<vmem_shared>>)
      tpu.yield
    }) : () -> ()
    "tpu.region"() ({
      %run_scoped3A = tpu.sem_alloc : memref<!tpu.dma_semaphore, #tpu.memory_space<semaphore_mem>>
      %dma_start3A_101 = arith.constant 0 : i32
      %dma_start3A_102 = arith.constant 0 : i32
      %dma_start3A_103 = tpu.memref_slice %arg4[%dma_start3A_101, %dma_start3A_102] : memref<10112x128xf32, #tpu.memory_space<hbm>> -> memref<80x128xf32, #tpu.memory_space<hbm>>
      %dma_start3A_104 = arith.constant 0 : i32
      %dma_start3A_105 = arith.constant 0 : i32
      %dma_start3A_106 = tpu.memref_slice %arg4[%dma_start3A_104, %dma_start3A_105] : memref<10112x128xf32, #tpu.memory_space<hbm>> -> memref<80x128xf32, #tpu.memory_space<hbm>>
      tpu.enqueue_dma source(%dma_start3A_106 : memref<80x128xf32, #tpu.memory_space<hbm>>) target(%arg14 : memref<80x128xf32, #tpu.memory_space<vmem>>) target_semaphore(%run_scoped3A : memref<!tpu.dma_semaphore, #tpu.memory_space<semaphore_mem>>)
      %dma_wait3A_107 = arith.constant 0 : i32
      %dma_wait3A_108 = arith.constant 0 : i32
      %dma_wait3A_109 = tpu.memref_slice %arg4[%dma_wait3A_107, %dma_wait3A_108] : memref<10112x128xf32, #tpu.memory_space<hbm>> -> memref<80x128xf32, #tpu.memory_space<hbm>>
      %dma_wait3A_110 = arith.constant 0 : i32
      %dma_wait3A_111 = arith.constant 0 : i32
      %dma_wait3A_112 = tpu.memref_slice %arg4[%dma_wait3A_110, %dma_wait3A_111] : memref<10112x128xf32, #tpu.memory_space<hbm>> -> memref<80x128xf32, #tpu.memory_space<hbm>>
      tpu.wait_dma2 semaphore(%run_scoped3A : memref<!tpu.dma_semaphore, #tpu.memory_space<semaphore_mem>>) src(%dma_wait3A_112 : memref<80x128xf32, #tpu.memory_space<hbm>>) dst(%arg14 : memref<80x128xf32, #tpu.memory_space<vmem>>)
      tpu.yield
    }) : () -> ()
    %iota3A = tpu.iota {dimensions = array<i32: 0>} : vector<16xi32>
    %add3A_3 = arith.constant 0 : i32
    %add3A_4 = vector.broadcast %add3A_3 : i32 to vector<16xi32>
    %add3A_5 = arith.addi %iota3A, %add3A_4 : vector<16xi32>
    %swap3A = arith.constant 0 : index
    %swap3A_6 = tpu.vector_load %arg15[%swap3A] {strides = array<i32>} : memref<80xi32, #tpu.memory_space<vmem>>, vector<16xi32>,
    tpu.vector_store %arg15[%swap3A], %add3A_5 {strides = array<i32>} : memref<80xi32, #tpu.memory_space<vmem>>, vector<16xi32>,
    %iota3A_7 = tpu.iota {dimensions = array<i32: 0>} : vector<16xi32>
    %add3A_8 = arith.constant 16 : i32
    %add3A_9 = vector.broadcast %add3A_8 : i32 to vector<16xi32>
    %add3A_10 = arith.addi %iota3A_7, %add3A_9 : vector<16xi32>
    %swap3A_11 = arith.constant 16 : index
    %swap3A_12 = tpu.vector_load %arg15[%swap3A_11] {strides = array<i32>} : memref<80xi32, #tpu.memory_space<vmem>>, vector<16xi32>,
    tpu.vector_store %arg15[%swap3A_11], %add3A_10 {strides = array<i32>} : memref<80xi32, #tpu.memory_space<vmem>>, vector<16xi32>,
    %iota3A_13 = tpu.iota {dimensions = array<i32: 0>} : vector<16xi32>
    %add3A_14 = arith.constant 32 : i32
    %add3A_15 = vector.broadcast %add3A_14 : i32 to vector<16xi32>
    %add3A_16 = arith.addi %iota3A_13, %add3A_15 : vector<16xi32>
    %swap3A_17 = arith.constant 32 : index
    %swap3A_18 = tpu.vector_load %arg15[%swap3A_17] {strides = array<i32>} : memref<80xi32, #tpu.memory_space<vmem>>, vector<16xi32>,
    tpu.vector_store %arg15[%swap3A_17], %add3A_16 {strides = array<i32>} : memref<80xi32, #tpu.memory_space<vmem>>, vector<16xi32>,
    %iota3A_19 = tpu.iota {dimensions = array<i32: 0>} : vector<16xi32>
    %add3A_20 = arith.constant 48 : i32
    %add3A_21 = vector.broadcast %add3A_20 : i32 to vector<16xi32>
    %add3A_22 = arith.addi %iota3A_19, %add3A_21 : vector<16xi32>
    %swap3A_23 = arith.constant 48 : index
    %swap3A_24 = tpu.vector_load %arg15[%swap3A_23] {strides = array<i32>} : memref<80xi32, #tpu.memory_space<vmem>>, vector<16xi32>,
    tpu.vector_store %arg15[%swap3A_23], %add3A_22 {strides = array<i32>} : memref<80xi32, #tpu.memory_space<vmem>>, vector<16xi32>,
    %iota3A_25 = tpu.iota {dimensions = array<i32: 0>} : vector<16xi32>
    %add3A_26 = arith.constant 64 : i32
    %add3A_27 = vector.broadcast %add3A_26 : i32 to vector<16xi32>
    %add3A_28 = arith.addi %iota3A_25, %add3A_27 : vector<16xi32>
    %swap3A_29 = arith.constant 64 : index
    %swap3A_30 = tpu.vector_load %arg15[%swap3A_29] {strides = array<i32>} : memref<80xi32, #tpu.memory_space<vmem>>, vector<16xi32>,
    tpu.vector_store %arg15[%swap3A_29], %add3A_28 {strides = array<i32>} : memref<80xi32, #tpu.memory_space<vmem>>, vector<16xi32>,
    %eq3A = arith.constant 0 : i32
    %eq3A_31 = arith.cmpi eq, %arg1, %eq3A : i32
    %convert_element_type3A = arith.extui %eq3A_31 : i1 to i32
    %cond3A = arith.constant 0 : i32
    %cond3A_32 = arith.cmpi ne, %convert_element_type3A, %cond3A : i32
    scf.if %cond3A_32 {
      "tpu.region"() ({
        %run_scoped3A = tpu.sem_alloc : memref<!tpu.dma_semaphore, #tpu.memory_space<semaphore_mem>>
        %dma_start3A_101 = arith.constant 0 : i32
        %dma_start3A_102 = arith.constant 0 : i32
        %dma_start3A_103 = tpu.memref_slice %arg4[%dma_start3A_101, %dma_start3A_102] : memref<10112x128xf32, #tpu.memory_space<hbm>> -> memref<80x128xf32, #tpu.memory_space<hbm>>
        tpu.enqueue_dma source(%dma_start3A_103 : memref<80x128xf32, #tpu.memory_space<hbm>>) target(%arg16 : memref<80x128xf32, #tpu.memory_space<vmem_shared>>) target_semaphore(%run_scoped3A : memref<!tpu.dma_semaphore, #tpu.memory_space<semaphore_mem>>)
        %dma_wait3A_104 = arith.constant 0 : i32
        %dma_wait3A_105 = arith.constant 0 : i32
        %dma_wait3A_106 = tpu.memref_slice %arg4[%dma_wait3A_104, %dma_wait3A_105] : memref<10112x128xf32, #tpu.memory_space<hbm>> -> memref<80x128xf32, #tpu.memory_space<hbm>>
        tpu.wait_dma2 semaphore(%run_scoped3A : memref<!tpu.dma_semaphore, #tpu.memory_space<semaphore_mem>>) src(%dma_wait3A_106 : memref<80x128xf32, #tpu.memory_space<hbm>>) dst(%arg16 : memref<80x128xf32, #tpu.memory_space<vmem_shared>>)
        tpu.yield
      }) : () -> ()
    } else {
    }
    %barrier3A = arith.constant 0 : index
    tpu.barrier barrier_id(%barrier3A)
    %lt3A = arith.constant 4 : i32
    %lt3A_33 = arith.cmpi slt, %add3A, %lt3A : i32
    %jit3A = arith.constant 1 : i32
    %jit3A_34 = arith.constant 0 : i32
    %select_n3A = arith.select %lt3A_33, %jit3A, %jit3A_34 : i32
    %add3A_35 = arith.constant 78 : i32
    %add3A_36 = arith.addi %add3A_35, %select_n3A : i32
    %mul3A_37 = arith.constant 78 : i32
    %mul3A_38 = arith.muli %add3A, %mul3A_37 : i32
    %min3A = arith.constant 4 : i32
    %min3A_39 = arith.minsi %add3A, %min3A : i32
    %add3A_40 = arith.addi %mul3A_38, %min3A_39 : i32
    %broadcast_in_dim3A = arith.constant 1.000000e+00 : f32
    %broadcast_in_dim3A_41 = vector.broadcast %broadcast_in_dim3A : f32 to vector<16xf32>
    %add3A_42 = arith.constant 0 : i32
    %add3A_43 = arith.addi %add3A_40, %add3A_42 : i32
    %mul3A_44 = arith.constant 128 : i32
    %mul3A_45 = arith.muli %add3A_43, %mul3A_44 : i32
    %multiple_of3A = tpu.assume_multiple %mul3A_45, 128 : i32
    "tpu.region"() ({
      %run_scoped3A = tpu.sem_alloc : memref<!tpu.dma_semaphore, #tpu.memory_space<semaphore_mem>>
      %dma_start3A_101 = arith.constant 0 : i32
      %dma_start3A_102 = tpu.memref_slice %arg3[%dma_start3A_101, %multiple_of3A] : memref<2x320000xi32, #tpu.memory_space<hbm>> -> memref<2x128xi32, #tpu.memory_space<hbm>>
      %dma_start3A_103 = arith.constant 0 : i32
      %dma_start3A_104 = tpu.memref_slice %arg3[%dma_start3A_103, %multiple_of3A] : memref<2x320000xi32, #tpu.memory_space<hbm>> -> memref<2x128xi32, #tpu.memory_space<hbm>>
      tpu.enqueue_dma source(%dma_start3A_104 : memref<2x128xi32, #tpu.memory_space<hbm>>) target(%arg7 : memref<2x128xi32, #tpu.memory_space<vmem>>) target_semaphore(%run_scoped3A : memref<!tpu.dma_semaphore, #tpu.memory_space<semaphore_mem>>)
      %dma_wait3A_105 = arith.constant 0 : i32
      %dma_wait3A_106 = tpu.memref_slice %arg3[%dma_wait3A_105, %multiple_of3A] : memref<2x320000xi32, #tpu.memory_space<hbm>> -> memref<2x128xi32, #tpu.memory_space<hbm>>
      %dma_wait3A_107 = arith.constant 0 : i32
      %dma_wait3A_108 = tpu.memref_slice %arg3[%dma_wait3A_107, %multiple_of3A] : memref<2x320000xi32, #tpu.memory_space<hbm>> -> memref<2x128xi32, #tpu.memory_space<hbm>>
      tpu.wait_dma2 semaphore(%run_scoped3A : memref<!tpu.dma_semaphore, #tpu.memory_space<semaphore_mem>>) src(%dma_wait3A_108 : memref<2x128xi32, #tpu.memory_space<hbm>>) dst(%arg7 : memref<2x128xi32, #tpu.memory_space<vmem>>)
      tpu.yield
    }) : () -> ()
    %dma_start3A = arith.constant 0 : i32
    %dma_start3A_46 = arith.constant 0 : i32
    %dma_start3A_47 = tpu.memref_slice %arg7[%dma_start3A, %dma_start3A_46] : memref<2x128xi32, #tpu.memory_space<vmem>> -> memref<1x128xi32, #tpu.memory_space<vmem>>
    %dma_start3A_48 = tpu.memref_squeeze %dma_start3A_47 : memref<1x128xi32, #tpu.memory_space<vmem>> -> memref<128xi32, #tpu.memory_space<vmem>>
    %dma_start3A_49 = arith.constant 0 : i32
    %dma_start3A_50 = arith.constant 0 : i32
    %dma_start3A_51 = tpu.memref_slice %arg2[%dma_start3A_49, %dma_start3A_50] : memref<10000x128xf32, #tpu.memory_space<hbm>> -> memref<10000x128xf32, #tpu.memory_space<hbm>>
    tpu.enqueue_indirect_dma source(%dma_start3A_51 : memref<10000x128xf32, #tpu.memory_space<hbm>>) target(%arg9 : memref<128x128xf32, #tpu.memory_space<vmem>>) offsets(%dma_start3A_48 : memref<128xi32, #tpu.memory_space<vmem>>) semaphore(%arg11 : memref<!tpu.dma_semaphore, #tpu.memory_space<semaphore_mem>>)
    %jit3A_52 = arith.constant 2 : i32
    %div3A = arith.divsi %add3A_36, %jit3A_52 : i32
    %sign3A = arith.constant 0 : i32
    %sign3A_53 = arith.cmpi sgt, %add3A_36, %sign3A : i32
    %sign3A_54 = arith.extui %sign3A_53 : i1 to i32
    %sign3A_55 = arith.constant 0 : i32
    %sign3A_56 = arith.cmpi slt, %add3A_36, %sign3A_55 : i32
    %sign3A_57 = arith.extui %sign3A_56 : i1 to i32
    %sign3A_58 = arith.subi %sign3A_54, %sign3A_57 : i32
    %sign3A_59 = arith.constant 0 : i32
    %sign3A_60 = arith.cmpi sgt, %jit3A_52, %sign3A_59 : i32
    %sign3A_61 = arith.extui %sign3A_60 : i1 to i32
    %sign3A_62 = arith.constant 0 : i32
    %sign3A_63 = arith.cmpi slt, %jit3A_52, %sign3A_62 : i32
    %sign3A_64 = arith.extui %sign3A_63 : i1 to i32
    %sign3A_65 = arith.subi %sign3A_61, %sign3A_64 : i32
    %ne3A = arith.cmpi ne, %sign3A_58, %sign3A_65 : i32
    %rem3A = arith.remsi %add3A_36, %jit3A_52 : i32
    %ne3A_66 = arith.constant 0 : i32
    %ne3A_67 = arith.cmpi ne, %rem3A, %ne3A_66 : i32
    %and3A = arith.andi %ne3A, %ne3A_67 : i1
    %sub3A = arith.constant 1 : i32
    %sub3A_68 = arith.subi %div3A, %sub3A : i32
    %select_n3A_69 = arith.select %and3A, %sub3A_68, %div3A : i32
    %while3A = arith.constant 0 : i32
    %while3A_70 = arith.constant 0 : i32
    %while3A_71 = arith.subi %select_n3A_69, %while3A_70 : i32
    %while3A_72 = arith.addi %while3A_70, %while3A_71 : i32
    %while3A_73 = arith.constant 1 : i32
    %while3A_74 = arith.divsi %while3A_71, %while3A_73 : i32
    %while3A_75 = arith.muli %while3A_74, %while3A_73 : i32
    %while3A_76 = arith.addi %while3A_70, %while3A_75 : i32
    %while3A_77 = arith.constant 1 : i32
    scf.for %while3A_101 = %while3A_70 to %while3A_76 step %while3A_77  : i32 {
      %mul3A_102 = arith.constant 2 : i32
      %mul3A_103 = arith.muli %while3A_101, %mul3A_102 : i32
      %add3A_104 = arith.constant 0 : i32
      %add3A_105 = arith.addi %mul3A_103, %add3A_104 : i32
      %add3A_106 = arith.constant 1 : i32
      %add3A_107 = arith.addi %add3A_105, %add3A_106 : i32
      %rem3A_108 = arith.remsi %add3A_107, %add3A_36 : i32
      %add3A_109 = arith.addi %add3A_40, %rem3A_108 : i32
      %mul3A_110 = arith.constant 128 : i32
      %mul3A_111 = arith.muli %add3A_109, %mul3A_110 : i32
      %multiple_of3A_112 = tpu.assume_multiple %mul3A_111, 128 : i32
      "tpu.region"() ({
        %run_scoped3A_311 = tpu.sem_alloc : memref<!tpu.dma_semaphore, #tpu.memory_space<semaphore_mem>>
        %dma_start3A_312 = arith.constant 0 : i32
        %dma_start3A_313 = tpu.memref_slice %arg3[%dma_start3A_312, %multiple_of3A_112] : memref<2x320000xi32, #tpu.memory_space<hbm>> -> memref<2x128xi32, #tpu.memory_space<hbm>>
        %dma_start3A_314 = arith.constant 0 : i32
        %dma_start3A_315 = tpu.memref_slice %arg3[%dma_start3A_314, %multiple_of3A_112] : memref<2x320000xi32, #tpu.memory_space<hbm>> -> memref<2x128xi32, #tpu.memory_space<hbm>>
        tpu.enqueue_dma source(%dma_start3A_315 : memref<2x128xi32, #tpu.memory_space<hbm>>) target(%arg8 : memref<2x128xi32, #tpu.memory_space<vmem>>) target_semaphore(%run_scoped3A_311 : memref<!tpu.dma_semaphore, #tpu.memory_space<semaphore_mem>>)
        %dma_wait3A_316 = arith.constant 0 : i32
        %dma_wait3A_317 = tpu.memref_slice %arg3[%dma_wait3A_316, %multiple_of3A_112] : memref<2x320000xi32, #tpu.memory_space<hbm>> -> memref<2x128xi32, #tpu.memory_space<hbm>>
        %dma_wait3A_318 = arith.constant 0 : i32
        %dma_wait3A_319 = tpu.memref_slice %arg3[%dma_wait3A_318, %multiple_of3A_112] : memref<2x320000xi32, #tpu.memory_space<hbm>> -> memref<2x128xi32, #tpu.memory_space<hbm>>
        tpu.wait_dma2 semaphore(%run_scoped3A_311 : memref<!tpu.dma_semaphore, #tpu.memory_space<semaphore_mem>>) src(%dma_wait3A_319 : memref<2x128xi32, #tpu.memory_space<hbm>>) dst(%arg8 : memref<2x128xi32, #tpu.memory_space<vmem>>)
        tpu.yield
      }) : () -> ()
      %dma_start3A_113 = arith.constant 0 : i32
      %dma_start3A_114 = arith.constant 0 : i32
      %dma_start3A_115 = tpu.memref_slice %arg8[%dma_start3A_113, %dma_start3A_114] : memref<2x128xi32, #tpu.memory_space<vmem>> -> memref<1x128xi32, #tpu.memory_space<vmem>>
      %dma_start3A_116 = tpu.memref_squeeze %dma_start3A_115 : memref<1x128xi32, #tpu.memory_space<vmem>> -> memref<128xi32, #tpu.memory_space<vmem>>
      %dma_start3A_117 = arith.constant 0 : i32
      %dma_start3A_118 = arith.constant 0 : i32
      %dma_start3A_119 = tpu.memref_slice %arg2[%dma_start3A_117, %dma_start3A_118] : memref<10000x128xf32, #tpu.memory_space<hbm>> -> memref<10000x128xf32, #tpu.memory_space<hbm>>
      tpu.enqueue_indirect_dma source(%dma_start3A_119 : memref<10000x128xf32, #tpu.memory_space<hbm>>) target(%arg10 : memref<128x128xf32, #tpu.memory_space<vmem>>) offsets(%dma_start3A_116 : memref<128xi32, #tpu.memory_space<vmem>>) semaphore(%arg12 : memref<!tpu.dma_semaphore, #tpu.memory_space<semaphore_mem>>)
      %dma_wait3A_120 = arith.constant 0 : i32
      %dma_wait3A_121 = arith.constant 0 : i32
      %dma_wait3A_122 = tpu.memref_slice %arg7[%dma_wait3A_120, %dma_wait3A_121] : memref<2x128xi32, #tpu.memory_space<vmem>> -> memref<1x128xi32, #tpu.memory_space<vmem>>
      %dma_wait3A_123 = tpu.memref_squeeze %dma_wait3A_122 : memref<1x128xi32, #tpu.memory_space<vmem>> -> memref<128xi32, #tpu.memory_space<vmem>>
      %dma_wait3A_124 = arith.constant 0 : i32
      %dma_wait3A_125 = arith.constant 0 : i32
      %dma_wait3A_126 = tpu.memref_slice %arg2[%dma_wait3A_124, %dma_wait3A_125] : memref<10000x128xf32, #tpu.memory_space<hbm>> -> memref<10000x128xf32, #tpu.memory_space<hbm>>
      tpu.wait_indirect_dma semaphore(%arg11 : memref<!tpu.dma_semaphore, #tpu.memory_space<semaphore_mem>>) src(%dma_wait3A_126 : memref<10000x128xf32, #tpu.memory_space<hbm>>) dst(%arg9 : memref<128x128xf32, #tpu.memory_space<vmem>>)
      %run_scoped3A = arith.constant 1 : i32
      "tpu.region"() ({
        %run_scoped3A_311 = tpu.sem_alloc : memref<!tpu.dma_semaphore, #tpu.memory_space<semaphore_mem>>
        %dma_start3A_312 = arith.constant 0 : i32
        %dma_start3A_313 = tpu.memref_slice %arg7[%run_scoped3A, %dma_start3A_312] : memref<2x128xi32, #tpu.memory_space<vmem>> -> memref<1x128xi32, #tpu.memory_space<vmem>>
        %dma_start3A_314 = tpu.memref_squeeze %dma_start3A_313 : memref<1x128xi32, #tpu.memory_space<vmem>> -> memref<128xi32, #tpu.memory_space<vmem>>
        %dma_start3A_315 = arith.constant 0 : i32
        %dma_start3A_316 = arith.constant 0 : i32
        %dma_start3A_317 = tpu.memref_slice %arg13[%dma_start3A_315, %dma_start3A_316] : memref<10112x128xf32, #tpu.memory_space<vmem_shared>> -> memref<10112x128xf32, #tpu.memory_space<vmem_shared>>
        tpu.enqueue_indirect_dma source(%arg9 : memref<128x128xf32, #tpu.memory_space<vmem>>) target(%dma_start3A_317 : memref<10112x128xf32, #tpu.memory_space<vmem_shared>>) offsets(%dma_start3A_314 : memref<128xi32, #tpu.memory_space<vmem>>) semaphore(%run_scoped3A_311 : memref<!tpu.dma_semaphore, #tpu.memory_space<semaphore_mem>>) {add = true}
        %dma_wait3A_318 = arith.constant 0 : i32
        %dma_wait3A_319 = tpu.memref_slice %arg7[%run_scoped3A, %dma_wait3A_318] : memref<2x128xi32, #tpu.memory_space<vmem>> -> memref<1x128xi32, #tpu.memory_space<vmem>>
        %dma_wait3A_320 = tpu.memref_squeeze %dma_wait3A_319 : memref<1x128xi32, #tpu.memory_space<vmem>> -> memref<128xi32, #tpu.memory_space<vmem>>
        %dma_wait3A_321 = arith.constant 0 : i32
        %dma_wait3A_322 = arith.constant 0 : i32
        %dma_wait3A_323 = tpu.memref_slice %arg13[%dma_wait3A_321, %dma_wait3A_322] : memref<10112x128xf32, #tpu.memory_space<vmem_shared>> -> memref<10112x128xf32, #tpu.memory_space<vmem_shared>>
        tpu.wait_indirect_dma semaphore(%run_scoped3A_311 : memref<!tpu.dma_semaphore, #tpu.memory_space<semaphore_mem>>) src(%arg9 : memref<128x128xf32, #tpu.memory_space<vmem>>) dst(%dma_wait3A_323 : memref<10112x128xf32, #tpu.memory_space<vmem_shared>>)
        tpu.yield
      }) : () -> ()
      %get3A = arith.constant 1 : i32
      %get3A_127 = arith.index_cast %get3A : i32 to index
      %get3A_128 = arith.constant 0 : index
      %get3A_129 = tpu.vector_load %arg7[%get3A_127, %get3A_128] {strides = array<i32>} : memref<2x128xi32, #tpu.memory_space<vmem>>, vector<16xi32>,
      %shift_right_logical3A = arith.constant 7 : i32
      %shift_right_logical3A_130 = vector.broadcast %shift_right_logical3A : i32 to vector<16xi32>
      %shift_right_logical3A_131 = arith.shrui %get3A_129, %shift_right_logical3A_130 : vector<16xi32>
      %and3A_132 = arith.constant 127 : i32
      %and3A_133 = vector.broadcast %and3A_132 : i32 to vector<16xi32>
      %and3A_134 = arith.andi %get3A_129, %and3A_133 : vector<16xi32>
      tpu.vector_store_idx %arg14[%shift_right_logical3A_131, %and3A_134], %broadcast_in_dim3A_41 {add = true} : memref<80x128xf32, #tpu.memory_space<vmem>>[vector<16xi32>, vector<16xi32>], vector<16xf32>,
      %get3A_135 = arith.constant 1 : i32
      %get3A_136 = arith.index_cast %get3A_135 : i32 to index
      %get3A_137 = arith.constant 16 : index
      %get3A_138 = tpu.vector_load %arg7[%get3A_136, %get3A_137] {strides = array<i32>} : memref<2x128xi32, #tpu.memory_space<vmem>>, vector<16xi32>,
      %shift_right_logical3A_139 = arith.constant 7 : i32
      %shift_right_logical3A_140 = vector.broadcast %shift_right_logical3A_139 : i32 to vector<16xi32>
      %shift_right_logical3A_141 = arith.shrui %get3A_138, %shift_right_logical3A_140 : vector<16xi32>
      %and3A_142 = arith.constant 127 : i32
      %and3A_143 = vector.broadcast %and3A_142 : i32 to vector<16xi32>
      %and3A_144 = arith.andi %get3A_138, %and3A_143 : vector<16xi32>
      tpu.vector_store_idx %arg14[%shift_right_logical3A_141, %and3A_144], %broadcast_in_dim3A_41 {add = true} : memref<80x128xf32, #tpu.memory_space<vmem>>[vector<16xi32>, vector<16xi32>], vector<16xf32>,
      %get3A_145 = arith.constant 1 : i32
      %get3A_146 = arith.index_cast %get3A_145 : i32 to index
      %get3A_147 = arith.constant 32 : index
      %get3A_148 = tpu.vector_load %arg7[%get3A_146, %get3A_147] {strides = array<i32>} : memref<2x128xi32, #tpu.memory_space<vmem>>, vector<16xi32>,
      %shift_right_logical3A_149 = arith.constant 7 : i32
      %shift_right_logical3A_150 = vector.broadcast %shift_right_logical3A_149 : i32 to vector<16xi32>
      %shift_right_logical3A_151 = arith.shrui %get3A_148, %shift_right_logical3A_150 : vector<16xi32>
      %and3A_152 = arith.constant 127 : i32
      %and3A_153 = vector.broadcast %and3A_152 : i32 to vector<16xi32>
      %and3A_154 = arith.andi %get3A_148, %and3A_153 : vector<16xi32>
      tpu.vector_store_idx %arg14[%shift_right_logical3A_151, %and3A_154], %broadcast_in_dim3A_41 {add = true} : memref<80x128xf32, #tpu.memory_space<vmem>>[vector<16xi32>, vector<16xi32>], vector<16xf32>,
      %get3A_155 = arith.constant 1 : i32
      %get3A_156 = arith.index_cast %get3A_155 : i32 to index
      %get3A_157 = arith.constant 48 : index
      %get3A_158 = tpu.vector_load %arg7[%get3A_156, %get3A_157] {strides = array<i32>} : memref<2x128xi32, #tpu.memory_space<vmem>>, vector<16xi32>,
      %shift_right_logical3A_159 = arith.constant 7 : i32
      %shift_right_logical3A_160 = vector.broadcast %shift_right_logical3A_159 : i32 to vector<16xi32>
      %shift_right_logical3A_161 = arith.shrui %get3A_158, %shift_right_logical3A_160 : vector<16xi32>
      %and3A_162 = arith.constant 127 : i32
      %and3A_163 = vector.broadcast %and3A_162 : i32 to vector<16xi32>
      %and3A_164 = arith.andi %get3A_158, %and3A_163 : vector<16xi32>
      tpu.vector_store_idx %arg14[%shift_right_logical3A_161, %and3A_164], %broadcast_in_dim3A_41 {add = true} : memref<80x128xf32, #tpu.memory_space<vmem>>[vector<16xi32>, vector<16xi32>], vector<16xf32>,
      %get3A_165 = arith.constant 1 : i32
      %get3A_166 = arith.index_cast %get3A_165 : i32 to index
      %get3A_167 = arith.constant 64 : index
      %get3A_168 = tpu.vector_load %arg7[%get3A_166, %get3A_167] {strides = array<i32>} : memref<2x128xi32, #tpu.memory_space<vmem>>, vector<16xi32>,
      %shift_right_logical3A_169 = arith.constant 7 : i32
      %shift_right_logical3A_170 = vector.broadcast %shift_right_logical3A_169 : i32 to vector<16xi32>
      %shift_right_logical3A_171 = arith.shrui %get3A_168, %shift_right_logical3A_170 : vector<16xi32>
      %and3A_172 = arith.constant 127 : i32
      %and3A_173 = vector.broadcast %and3A_172 : i32 to vector<16xi32>
      %and3A_174 = arith.andi %get3A_168, %and3A_173 : vector<16xi32>
      tpu.vector_store_idx %arg14[%shift_right_logical3A_171, %and3A_174], %broadcast_in_dim3A_41 {add = true} : memref<80x128xf32, #tpu.memory_space<vmem>>[vector<16xi32>, vector<16xi32>], vector<16xf32>,
      %get3A_175 = arith.constant 1 : i32
      %get3A_176 = arith.index_cast %get3A_175 : i32 to index
      %get3A_177 = arith.constant 80 : index
      %get3A_178 = tpu.vector_load %arg7[%get3A_176, %get3A_177] {strides = array<i32>} : memref<2x128xi32, #tpu.memory_space<vmem>>, vector<16xi32>,
      %shift_right_logical3A_179 = arith.constant 7 : i32
      %shift_right_logical3A_180 = vector.broadcast %shift_right_logical3A_179 : i32 to vector<16xi32>
      %shift_right_logical3A_181 = arith.shrui %get3A_178, %shift_right_logical3A_180 : vector<16xi32>
      %and3A_182 = arith.constant 127 : i32
      %and3A_183 = vector.broadcast %and3A_182 : i32 to vector<16xi32>
      %and3A_184 = arith.andi %get3A_178, %and3A_183 : vector<16xi32>
      tpu.vector_store_idx %arg14[%shift_right_logical3A_181, %and3A_184], %broadcast_in_dim3A_41 {add = true} : memref<80x128xf32, #tpu.memory_space<vmem>>[vector<16xi32>, vector<16xi32>], vector<16xf32>,
      %get3A_185 = arith.constant 1 : i32
      %get3A_186 = arith.index_cast %get3A_185 : i32 to index
      %get3A_187 = arith.constant 96 : index
      %get3A_188 = tpu.vector_load %arg7[%get3A_186, %get3A_187] {strides = array<i32>} : memref<2x128xi32, #tpu.memory_space<vmem>>, vector<16xi32>,
      %shift_right_logical3A_189 = arith.constant 7 : i32
      %shift_right_logical3A_190 = vector.broadcast %shift_right_logical3A_189 : i32 to vector<16xi32>
      %shift_right_logical3A_191 = arith.shrui %get3A_188, %shift_right_logical3A_190 : vector<16xi32>
      %and3A_192 = arith.constant 127 : i32
      %and3A_193 = vector.broadcast %and3A_192 : i32 to vector<16xi32>
      %and3A_194 = arith.andi %get3A_188, %and3A_193 : vector<16xi32>
      tpu.vector_store_idx %arg14[%shift_right_logical3A_191, %and3A_194], %broadcast_in_dim3A_41 {add = true} : memref<80x128xf32, #tpu.memory_space<vmem>>[vector<16xi32>, vector<16xi32>], vector<16xf32>,
      %get3A_195 = arith.constant 1 : i32
      %get3A_196 = arith.index_cast %get3A_195 : i32 to index
      %get3A_197 = arith.constant 112 : index
      %get3A_198 = tpu.vector_load %arg7[%get3A_196, %get3A_197] {strides = array<i32>} : memref<2x128xi32, #tpu.memory_space<vmem>>, vector<16xi32>,
      %shift_right_logical3A_199 = arith.constant 7 : i32
      %shift_right_logical3A_200 = vector.broadcast %shift_right_logical3A_199 : i32 to vector<16xi32>
      %shift_right_logical3A_201 = arith.shrui %get3A_198, %shift_right_logical3A_200 : vector<16xi32>
      %and3A_202 = arith.constant 127 : i32
      %and3A_203 = vector.broadcast %and3A_202 : i32 to vector<16xi32>
      %and3A_204 = arith.andi %get3A_198, %and3A_203 : vector<16xi32>
      tpu.vector_store_idx %arg14[%shift_right_logical3A_201, %and3A_204], %broadcast_in_dim3A_41 {add = true} : memref<80x128xf32, #tpu.memory_space<vmem>>[vector<16xi32>, vector<16xi32>], vector<16xf32>,
      %mul3A_205 = arith.constant 2 : i32
      %mul3A_206 = arith.muli %while3A_101, %mul3A_205 : i32
      %add3A_207 = arith.constant 1 : i32
      %add3A_208 = arith.addi %mul3A_206, %add3A_207 : i32
      %add3A_209 = arith.constant 1 : i32
      %add3A_210 = arith.addi %add3A_208, %add3A_209 : i32
      %rem3A_211 = arith.remsi %add3A_210, %add3A_36 : i32
      %add3A_212 = arith.addi %add3A_40, %rem3A_211 : i32
      %mul3A_213 = arith.constant 128 : i32
      %mul3A_214 = arith.muli %add3A_212, %mul3A_213 : i32
      %multiple_of3A_215 = tpu.assume_multiple %mul3A_214, 128 : i32
      "tpu.region"() ({
        %run_scoped3A_311 = tpu.sem_alloc : memref<!tpu.dma_semaphore, #tpu.memory_space<semaphore_mem>>
        %dma_start3A_312 = arith.constant 0 : i32
        %dma_start3A_313 = tpu.memref_slice %arg3[%dma_start3A_312, %multiple_of3A_215] : memref<2x320000xi32, #tpu.memory_space<hbm>> -> memref<2x128xi32, #tpu.memory_space<hbm>>
        %dma_start3A_314 = arith.constant 0 : i32
        %dma_start3A_315 = tpu.memref_slice %arg3[%dma_start3A_314, %multiple_of3A_215] : memref<2x320000xi32, #tpu.memory_space<hbm>> -> memref<2x128xi32, #tpu.memory_space<hbm>>
        tpu.enqueue_dma source(%dma_start3A_315 : memref<2x128xi32, #tpu.memory_space<hbm>>) target(%arg7 : memref<2x128xi32, #tpu.memory_space<vmem>>) target_semaphore(%run_scoped3A_311 : memref<!tpu.dma_semaphore, #tpu.memory_space<semaphore_mem>>)
        %dma_wait3A_316 = arith.constant 0 : i32
        %dma_wait3A_317 = tpu.memref_slice %arg3[%dma_wait3A_316, %multiple_of3A_215] : memref<2x320000xi32, #tpu.memory_space<hbm>> -> memref<2x128xi32, #tpu.memory_space<hbm>>
        %dma_wait3A_318 = arith.constant 0 : i32
        %dma_wait3A_319 = tpu.memref_slice %arg3[%dma_wait3A_318, %multiple_of3A_215] : memref<2x320000xi32, #tpu.memory_space<hbm>> -> memref<2x128xi32, #tpu.memory_space<hbm>>
        tpu.wait_dma2 semaphore(%run_scoped3A_311 : memref<!tpu.dma_semaphore, #tpu.memory_space<semaphore_mem>>) src(%dma_wait3A_319 : memref<2x128xi32, #tpu.memory_space<hbm>>) dst(%arg7 : memref<2x128xi32, #tpu.memory_space<vmem>>)
        tpu.yield
      }) : () -> ()
      %dma_start3A_216 = arith.constant 0 : i32
      %dma_start3A_217 = arith.constant 0 : i32
      %dma_start3A_218 = tpu.memref_slice %arg7[%dma_start3A_216, %dma_start3A_217] : memref<2x128xi32, #tpu.memory_space<vmem>> -> memref<1x128xi32, #tpu.memory_space<vmem>>
      %dma_start3A_219 = tpu.memref_squeeze %dma_start3A_218 : memref<1x128xi32, #tpu.memory_space<vmem>> -> memref<128xi32, #tpu.memory_space<vmem>>
      %dma_start3A_220 = arith.constant 0 : i32
      %dma_start3A_221 = arith.constant 0 : i32
      %dma_start3A_222 = tpu.memref_slice %arg2[%dma_start3A_220, %dma_start3A_221] : memref<10000x128xf32, #tpu.memory_space<hbm>> -> memref<10000x128xf32, #tpu.memory_space<hbm>>
      tpu.enqueue_indirect_dma source(%dma_start3A_222 : memref<10000x128xf32, #tpu.memory_space<hbm>>) target(%arg9 : memref<128x128xf32, #tpu.memory_space<vmem>>) offsets(%dma_start3A_219 : memref<128xi32, #tpu.memory_space<vmem>>) semaphore(%arg11 : memref<!tpu.dma_semaphore, #tpu.memory_space<semaphore_mem>>)
      %dma_wait3A_223 = arith.constant 0 : i32
      %dma_wait3A_224 = arith.constant 0 : i32
      %dma_wait3A_225 = tpu.memref_slice %arg8[%dma_wait3A_223, %dma_wait3A_224] : memref<2x128xi32, #tpu.memory_space<vmem>> -> memref<1x128xi32, #tpu.memory_space<vmem>>
      %dma_wait3A_226 = tpu.memref_squeeze %dma_wait3A_225 : memref<1x128xi32, #tpu.memory_space<vmem>> -> memref<128xi32, #tpu.memory_space<vmem>>
      %dma_wait3A_227 = arith.constant 0 : i32
      %dma_wait3A_228 = arith.constant 0 : i32
      %dma_wait3A_229 = tpu.memref_slice %arg2[%dma_wait3A_227, %dma_wait3A_228] : memref<10000x128xf32, #tpu.memory_space<hbm>> -> memref<10000x128xf32, #tpu.memory_space<hbm>>
      tpu.wait_indirect_dma semaphore(%arg12 : memref<!tpu.dma_semaphore, #tpu.memory_space<semaphore_mem>>) src(%dma_wait3A_229 : memref<10000x128xf32, #tpu.memory_space<hbm>>) dst(%arg10 : memref<128x128xf32, #tpu.memory_space<vmem>>)
      %run_scoped3A_230 = arith.constant 1 : i32
      "tpu.region"() ({
        %run_scoped3A_311 = tpu.sem_alloc : memref<!tpu.dma_semaphore, #tpu.memory_space<semaphore_mem>>
        %dma_start3A_312 = arith.constant 0 : i32
        %dma_start3A_313 = tpu.memref_slice %arg8[%run_scoped3A_230, %dma_start3A_312] : memref<2x128xi32, #tpu.memory_space<vmem>> -> memref<1x128xi32, #tpu.memory_space<vmem>>
        %dma_start3A_314 = tpu.memref_squeeze %dma_start3A_313 : memref<1x128xi32, #tpu.memory_space<vmem>> -> memref<128xi32, #tpu.memory_space<vmem>>
        %dma_start3A_315 = arith.constant 0 : i32
        %dma_start3A_316 = arith.constant 0 : i32
        %dma_start3A_317 = tpu.memref_slice %arg13[%dma_start3A_315, %dma_start3A_316] : memref<10112x128xf32, #tpu.memory_space<vmem_shared>> -> memref<10112x128xf32, #tpu.memory_space<vmem_shared>>
        tpu.enqueue_indirect_dma source(%arg10 : memref<128x128xf32, #tpu.memory_space<vmem>>) target(%dma_start3A_317 : memref<10112x128xf32, #tpu.memory_space<vmem_shared>>) offsets(%dma_start3A_314 : memref<128xi32, #tpu.memory_space<vmem>>) semaphore(%run_scoped3A_311 : memref<!tpu.dma_semaphore, #tpu.memory_space<semaphore_mem>>) {add = true}
        %dma_wait3A_318 = arith.constant 0 : i32
        %dma_wait3A_319 = tpu.memref_slice %arg8[%run_scoped3A_230, %dma_wait3A_318] : memref<2x128xi32, #tpu.memory_space<vmem>> -> memref<1x128xi32, #tpu.memory_space<vmem>>
        %dma_wait3A_320 = tpu.memref_squeeze %dma_wait3A_319 : memref<1x128xi32, #tpu.memory_space<vmem>> -> memref<128xi32, #tpu.memory_space<vmem>>
        %dma_wait3A_321 = arith.constant 0 : i32
        %dma_wait3A_322 = arith.constant 0 : i32
        %dma_wait3A_323 = tpu.memref_slice %arg13[%dma_wait3A_321, %dma_wait3A_322] : memref<10112x128xf32, #tpu.memory_space<vmem_shared>> -> memref<10112x128xf32, #tpu.memory_space<vmem_shared>>
        tpu.wait_indirect_dma semaphore(%run_scoped3A_311 : memref<!tpu.dma_semaphore, #tpu.memory_space<semaphore_mem>>) src(%arg10 : memref<128x128xf32, #tpu.memory_space<vmem>>) dst(%dma_wait3A_323 : memref<10112x128xf32, #tpu.memory_space<vmem_shared>>)
        tpu.yield
      }) : () -> ()
      %get3A_231 = arith.constant 1 : i32
      %get3A_232 = arith.index_cast %get3A_231 : i32 to index
      %get3A_233 = arith.constant 0 : index
      %get3A_234 = tpu.vector_load %arg8[%get3A_232, %get3A_233] {strides = array<i32>} : memref<2x128xi32, #tpu.memory_space<vmem>>, vector<16xi32>,
      %shift_right_logical3A_235 = arith.constant 7 : i32
      %shift_right_logical3A_236 = vector.broadcast %shift_right_logical3A_235 : i32 to vector<16xi32>
      %shift_right_logical3A_237 = arith.shrui %get3A_234, %shift_right_logical3A_236 : vector<16xi32>
      %and3A_238 = arith.constant 127 : i32
      %and3A_239 = vector.broadcast %and3A_238 : i32 to vector<16xi32>
      %and3A_240 = arith.andi %get3A_234, %and3A_239 : vector<16xi32>
      tpu.vector_store_idx %arg14[%shift_right_logical3A_237, %and3A_240], %broadcast_in_dim3A_41 {add = true} : memref<80x128xf32, #tpu.memory_space<vmem>>[vector<16xi32>, vector<16xi32>], vector<16xf32>,
      %get3A_241 = arith.constant 1 : i32
      %get3A_242 = arith.index_cast %get3A_241 : i32 to index
      %get3A_243 = arith.constant 16 : index
      %get3A_244 = tpu.vector_load %arg8[%get3A_242, %get3A_243] {strides = array<i32>} : memref<2x128xi32, #tpu.memory_space<vmem>>, vector<16xi32>,
      %shift_right_logical3A_245 = arith.constant 7 : i32
      %shift_right_logical3A_246 = vector.broadcast %shift_right_logical3A_245 : i32 to vector<16xi32>
      %shift_right_logical3A_247 = arith.shrui %get3A_244, %shift_right_logical3A_246 : vector<16xi32>
      %and3A_248 = arith.constant 127 : i32
      %and3A_249 = vector.broadcast %and3A_248 : i32 to vector<16xi32>
      %and3A_250 = arith.andi %get3A_244, %and3A_249 : vector<16xi32>
      tpu.vector_store_idx %arg14[%shift_right_logical3A_247, %and3A_250], %broadcast_in_dim3A_41 {add = true} : memref<80x128xf32, #tpu.memory_space<vmem>>[vector<16xi32>, vector<16xi32>], vector<16xf32>,
      %get3A_251 = arith.constant 1 : i32
      %get3A_252 = arith.index_cast %get3A_251 : i32 to index
      %get3A_253 = arith.constant 32 : index
      %get3A_254 = tpu.vector_load %arg8[%get3A_252, %get3A_253] {strides = array<i32>} : memref<2x128xi32, #tpu.memory_space<vmem>>, vector<16xi32>,
      %shift_right_logical3A_255 = arith.constant 7 : i32
      %shift_right_logical3A_256 = vector.broadcast %shift_right_logical3A_255 : i32 to vector<16xi32>
      %shift_right_logical3A_257 = arith.shrui %get3A_254, %shift_right_logical3A_256 : vector<16xi32>
      %and3A_258 = arith.constant 127 : i32
      %and3A_259 = vector.broadcast %and3A_258 : i32 to vector<16xi32>
      %and3A_260 = arith.andi %get3A_254, %and3A_259 : vector<16xi32>
      tpu.vector_store_idx %arg14[%shift_right_logical3A_257, %and3A_260], %broadcast_in_dim3A_41 {add = true} : memref<80x128xf32, #tpu.memory_space<vmem>>[vector<16xi32>, vector<16xi32>], vector<16xf32>,
      %get3A_261 = arith.constant 1 : i32
      %get3A_262 = arith.index_cast %get3A_261 : i32 to index
      %get3A_263 = arith.constant 48 : index
      %get3A_264 = tpu.vector_load %arg8[%get3A_262, %get3A_263] {strides = array<i32>} : memref<2x128xi32, #tpu.memory_space<vmem>>, vector<16xi32>,
      %shift_right_logical3A_265 = arith.constant 7 : i32
      %shift_right_logical3A_266 = vector.broadcast %shift_right_logical3A_265 : i32 to vector<16xi32>
      %shift_right_logical3A_267 = arith.shrui %get3A_264, %shift_right_logical3A_266 : vector<16xi32>
      %and3A_268 = arith.constant 127 : i32
      %and3A_269 = vector.broadcast %and3A_268 : i32 to vector<16xi32>
      %and3A_270 = arith.andi %get3A_264, %and3A_269 : vector<16xi32>
      tpu.vector_store_idx %arg14[%shift_right_logical3A_267, %and3A_270], %broadcast_in_dim3A_41 {add = true} : memref<80x128xf32, #tpu.memory_space<vmem>>[vector<16xi32>, vector<16xi32>], vector<16xf32>,
      %get3A_271 = arith.constant 1 : i32
      %get3A_272 = arith.index_cast %get3A_271 : i32 to index
      %get3A_273 = arith.constant 64 : index
      %get3A_274 = tpu.vector_load %arg8[%get3A_272, %get3A_273] {strides = array<i32>} : memref<2x128xi32, #tpu.memory_space<vmem>>, vector<16xi32>,
      %shift_right_logical3A_275 = arith.constant 7 : i32
      %shift_right_logical3A_276 = vector.broadcast %shift_right_logical3A_275 : i32 to vector<16xi32>
      %shift_right_logical3A_277 = arith.shrui %get3A_274, %shift_right_logical3A_276 : vector<16xi32>
      %and3A_278 = arith.constant 127 : i32
      %and3A_279 = vector.broadcast %and3A_278 : i32 to vector<16xi32>
      %and3A_280 = arith.andi %get3A_274, %and3A_279 : vector<16xi32>
      tpu.vector_store_idx %arg14[%shift_right_logical3A_277, %and3A_280], %broadcast_in_dim3A_41 {add = true} : memref<80x128xf32, #tpu.memory_space<vmem>>[vector<16xi32>, vector<16xi32>], vector<16xf32>,
      %get3A_281 = arith.constant 1 : i32
      %get3A_282 = arith.index_cast %get3A_281 : i32 to index
      %get3A_283 = arith.constant 80 : index
      %get3A_284 = tpu.vector_load %arg8[%get3A_282, %get3A_283] {strides = array<i32>} : memref<2x128xi32, #tpu.memory_space<vmem>>, vector<16xi32>,
      %shift_right_logical3A_285 = arith.constant 7 : i32
      %shift_right_logical3A_286 = vector.broadcast %shift_right_logical3A_285 : i32 to vector<16xi32>
      %shift_right_logical3A_287 = arith.shrui %get3A_284, %shift_right_logical3A_286 : vector<16xi32>
      %and3A_288 = arith.constant 127 : i32
      %and3A_289 = vector.broadcast %and3A_288 : i32 to vector<16xi32>
      %and3A_290 = arith.andi %get3A_284, %and3A_289 : vector<16xi32>
      tpu.vector_store_idx %arg14[%shift_right_logical3A_287, %and3A_290], %broadcast_in_dim3A_41 {add = true} : memref<80x128xf32, #tpu.memory_space<vmem>>[vector<16xi32>, vector<16xi32>], vector<16xf32>,
      %get3A_291 = arith.constant 1 : i32
      %get3A_292 = arith.index_cast %get3A_291 : i32 to index
      %get3A_293 = arith.constant 96 : index
      %get3A_294 = tpu.vector_load %arg8[%get3A_292, %get3A_293] {strides = array<i32>} : memref<2x128xi32, #tpu.memory_space<vmem>>, vector<16xi32>,
      %shift_right_logical3A_295 = arith.constant 7 : i32
      %shift_right_logical3A_296 = vector.broadcast %shift_right_logical3A_295 : i32 to vector<16xi32>
      %shift_right_logical3A_297 = arith.shrui %get3A_294, %shift_right_logical3A_296 : vector<16xi32>
      %and3A_298 = arith.constant 127 : i32
      %and3A_299 = vector.broadcast %and3A_298 : i32 to vector<16xi32>
      %and3A_300 = arith.andi %get3A_294, %and3A_299 : vector<16xi32>
      tpu.vector_store_idx %arg14[%shift_right_logical3A_297, %and3A_300], %broadcast_in_dim3A_41 {add = true} : memref<80x128xf32, #tpu.memory_space<vmem>>[vector<16xi32>, vector<16xi32>], vector<16xf32>,
      %get3A_301 = arith.constant 1 : i32
      %get3A_302 = arith.index_cast %get3A_301 : i32 to index
      %get3A_303 = arith.constant 112 : index
      %get3A_304 = tpu.vector_load %arg8[%get3A_302, %get3A_303] {strides = array<i32>} : memref<2x128xi32, #tpu.memory_space<vmem>>, vector<16xi32>,
      %shift_right_logical3A_305 = arith.constant 7 : i32
      %shift_right_logical3A_306 = vector.broadcast %shift_right_logical3A_305 : i32 to vector<16xi32>
      %shift_right_logical3A_307 = arith.shrui %get3A_304, %shift_right_logical3A_306 : vector<16xi32>
      %and3A_308 = arith.constant 127 : i32
      %and3A_309 = vector.broadcast %and3A_308 : i32 to vector<16xi32>
      %and3A_310 = arith.andi %get3A_304, %and3A_309 : vector<16xi32>
      tpu.vector_store_idx %arg14[%shift_right_logical3A_307, %and3A_310], %broadcast_in_dim3A_41 {add = true} : memref<80x128xf32, #tpu.memory_space<vmem>>[vector<16xi32>, vector<16xi32>], vector<16xf32>,
    }
    %while3A_78 = arith.constant 1 : i32
    scf.for %while3A_101 = %while3A_76 to %while3A_72 step %while3A_78  : i32 {
      %mul3A_102 = arith.constant 2 : i32
      %mul3A_103 = arith.muli %while3A_101, %mul3A_102 : i32
      %add3A_104 = arith.constant 0 : i32
      %add3A_105 = arith.addi %mul3A_103, %add3A_104 : i32
      %add3A_106 = arith.constant 1 : i32
      %add3A_107 = arith.addi %add3A_105, %add3A_106 : i32
      %rem3A_108 = arith.remsi %add3A_107, %add3A_36 : i32
      %add3A_109 = arith.addi %add3A_40, %rem3A_108 : i32
      %mul3A_110 = arith.constant 128 : i32
      %mul3A_111 = arith.muli %add3A_109, %mul3A_110 : i32
      %multiple_of3A_112 = tpu.assume_multiple %mul3A_111, 128 : i32
      "tpu.region"() ({
        %run_scoped3A_311 = tpu.sem_alloc : memref<!tpu.dma_semaphore, #tpu.memory_space<semaphore_mem>>
        %dma_start3A_312 = arith.constant 0 : i32
        %dma_start3A_313 = tpu.memref_slice %arg3[%dma_start3A_312, %multiple_of3A_112] : memref<2x320000xi32, #tpu.memory_space<hbm>> -> memref<2x128xi32, #tpu.memory_space<hbm>>
        %dma_start3A_314 = arith.constant 0 : i32
        %dma_start3A_315 = tpu.memref_slice %arg3[%dma_start3A_314, %multiple_of3A_112] : memref<2x320000xi32, #tpu.memory_space<hbm>> -> memref<2x128xi32, #tpu.memory_space<hbm>>
        tpu.enqueue_dma source(%dma_start3A_315 : memref<2x128xi32, #tpu.memory_space<hbm>>) target(%arg8 : memref<2x128xi32, #tpu.memory_space<vmem>>) target_semaphore(%run_scoped3A_311 : memref<!tpu.dma_semaphore, #tpu.memory_space<semaphore_mem>>)
        %dma_wait3A_316 = arith.constant 0 : i32
        %dma_wait3A_317 = tpu.memref_slice %arg3[%dma_wait3A_316, %multiple_of3A_112] : memref<2x320000xi32, #tpu.memory_space<hbm>> -> memref<2x128xi32, #tpu.memory_space<hbm>>
        %dma_wait3A_318 = arith.constant 0 : i32
        %dma_wait3A_319 = tpu.memref_slice %arg3[%dma_wait3A_318, %multiple_of3A_112] : memref<2x320000xi32, #tpu.memory_space<hbm>> -> memref<2x128xi32, #tpu.memory_space<hbm>>
        tpu.wait_dma2 semaphore(%run_scoped3A_311 : memref<!tpu.dma_semaphore, #tpu.memory_space<semaphore_mem>>) src(%dma_wait3A_319 : memref<2x128xi32, #tpu.memory_space<hbm>>) dst(%arg8 : memref<2x128xi32, #tpu.memory_space<vmem>>)
        tpu.yield
      }) : () -> ()
      %dma_start3A_113 = arith.constant 0 : i32
      %dma_start3A_114 = arith.constant 0 : i32
      %dma_start3A_115 = tpu.memref_slice %arg8[%dma_start3A_113, %dma_start3A_114] : memref<2x128xi32, #tpu.memory_space<vmem>> -> memref<1x128xi32, #tpu.memory_space<vmem>>
      %dma_start3A_116 = tpu.memref_squeeze %dma_start3A_115 : memref<1x128xi32, #tpu.memory_space<vmem>> -> memref<128xi32, #tpu.memory_space<vmem>>
      %dma_start3A_117 = arith.constant 0 : i32
      %dma_start3A_118 = arith.constant 0 : i32
      %dma_start3A_119 = tpu.memref_slice %arg2[%dma_start3A_117, %dma_start3A_118] : memref<10000x128xf32, #tpu.memory_space<hbm>> -> memref<10000x128xf32, #tpu.memory_space<hbm>>
      tpu.enqueue_indirect_dma source(%dma_start3A_119 : memref<10000x128xf32, #tpu.memory_space<hbm>>) target(%arg10 : memref<128x128xf32, #tpu.memory_space<vmem>>) offsets(%dma_start3A_116 : memref<128xi32, #tpu.memory_space<vmem>>) semaphore(%arg12 : memref<!tpu.dma_semaphore, #tpu.memory_space<semaphore_mem>>)
      %dma_wait3A_120 = arith.constant 0 : i32
      %dma_wait3A_121 = arith.constant 0 : i32
      %dma_wait3A_122 = tpu.memref_slice %arg7[%dma_wait3A_120, %dma_wait3A_121] : memref<2x128xi32, #tpu.memory_space<vmem>> -> memref<1x128xi32, #tpu.memory_space<vmem>>
      %dma_wait3A_123 = tpu.memref_squeeze %dma_wait3A_122 : memref<1x128xi32, #tpu.memory_space<vmem>> -> memref<128xi32, #tpu.memory_space<vmem>>
      %dma_wait3A_124 = arith.constant 0 : i32
      %dma_wait3A_125 = arith.constant 0 : i32
      %dma_wait3A_126 = tpu.memref_slice %arg2[%dma_wait3A_124, %dma_wait3A_125] : memref<10000x128xf32, #tpu.memory_space<hbm>> -> memref<10000x128xf32, #tpu.memory_space<hbm>>
      tpu.wait_indirect_dma semaphore(%arg11 : memref<!tpu.dma_semaphore, #tpu.memory_space<semaphore_mem>>) src(%dma_wait3A_126 : memref<10000x128xf32, #tpu.memory_space<hbm>>) dst(%arg9 : memref<128x128xf32, #tpu.memory_space<vmem>>)
      %run_scoped3A = arith.constant 1 : i32
      "tpu.region"() ({
        %run_scoped3A_311 = tpu.sem_alloc : memref<!tpu.dma_semaphore, #tpu.memory_space<semaphore_mem>>
        %dma_start3A_312 = arith.constant 0 : i32
        %dma_start3A_313 = tpu.memref_slice %arg7[%run_scoped3A, %dma_start3A_312] : memref<2x128xi32, #tpu.memory_space<vmem>> -> memref<1x128xi32, #tpu.memory_space<vmem>>
        %dma_start3A_314 = tpu.memref_squeeze %dma_start3A_313 : memref<1x128xi32, #tpu.memory_space<vmem>> -> memref<128xi32, #tpu.memory_space<vmem>>
        %dma_start3A_315 = arith.constant 0 : i32
        %dma_start3A_316 = arith.constant 0 : i32
        %dma_start3A_317 = tpu.memref_slice %arg13[%dma_start3A_315, %dma_start3A_316] : memref<10112x128xf32, #tpu.memory_space<vmem_shared>> -> memref<10112x128xf32, #tpu.memory_space<vmem_shared>>
        tpu.enqueue_indirect_dma source(%arg9 : memref<128x128xf32, #tpu.memory_space<vmem>>) target(%dma_start3A_317 : memref<10112x128xf32, #tpu.memory_space<vmem_shared>>) offsets(%dma_start3A_314 : memref<128xi32, #tpu.memory_space<vmem>>) semaphore(%run_scoped3A_311 : memref<!tpu.dma_semaphore, #tpu.memory_space<semaphore_mem>>) {add = true}
        %dma_wait3A_318 = arith.constant 0 : i32
        %dma_wait3A_319 = tpu.memref_slice %arg7[%run_scoped3A, %dma_wait3A_318] : memref<2x128xi32, #tpu.memory_space<vmem>> -> memref<1x128xi32, #tpu.memory_space<vmem>>
        %dma_wait3A_320 = tpu.memref_squeeze %dma_wait3A_319 : memref<1x128xi32, #tpu.memory_space<vmem>> -> memref<128xi32, #tpu.memory_space<vmem>>
        %dma_wait3A_321 = arith.constant 0 : i32
        %dma_wait3A_322 = arith.constant 0 : i32
        %dma_wait3A_323 = tpu.memref_slice %arg13[%dma_wait3A_321, %dma_wait3A_322] : memref<10112x128xf32, #tpu.memory_space<vmem_shared>> -> memref<10112x128xf32, #tpu.memory_space<vmem_shared>>
        tpu.wait_indirect_dma semaphore(%run_scoped3A_311 : memref<!tpu.dma_semaphore, #tpu.memory_space<semaphore_mem>>) src(%arg9 : memref<128x128xf32, #tpu.memory_space<vmem>>) dst(%dma_wait3A_323 : memref<10112x128xf32, #tpu.memory_space<vmem_shared>>)
        tpu.yield
      }) : () -> ()
      %get3A = arith.constant 1 : i32
      %get3A_127 = arith.index_cast %get3A : i32 to index
      %get3A_128 = arith.constant 0 : index
      %get3A_129 = tpu.vector_load %arg7[%get3A_127, %get3A_128] {strides = array<i32>} : memref<2x128xi32, #tpu.memory_space<vmem>>, vector<16xi32>,
      %shift_right_logical3A = arith.constant 7 : i32
      %shift_right_logical3A_130 = vector.broadcast %shift_right_logical3A : i32 to vector<16xi32>
      %shift_right_logical3A_131 = arith.shrui %get3A_129, %shift_right_logical3A_130 : vector<16xi32>
      %and3A_132 = arith.constant 127 : i32
      %and3A_133 = vector.broadcast %and3A_132 : i32 to vector<16xi32>
      %and3A_134 = arith.andi %get3A_129, %and3A_133 : vector<16xi32>
      tpu.vector_store_idx %arg14[%shift_right_logical3A_131, %and3A_134], %broadcast_in_dim3A_41 {add = true} : memref<80x128xf32, #tpu.memory_space<vmem>>[vector<16xi32>, vector<16xi32>], vector<16xf32>,
      %get3A_135 = arith.constant 1 : i32
      %get3A_136 = arith.index_cast %get3A_135 : i32 to index
      %get3A_137 = arith.constant 16 : index
      %get3A_138 = tpu.vector_load %arg7[%get3A_136, %get3A_137] {strides = array<i32>} : memref<2x128xi32, #tpu.memory_space<vmem>>, vector<16xi32>,
      %shift_right_logical3A_139 = arith.constant 7 : i32
      %shift_right_logical3A_140 = vector.broadcast %shift_right_logical3A_139 : i32 to vector<16xi32>
      %shift_right_logical3A_141 = arith.shrui %get3A_138, %shift_right_logical3A_140 : vector<16xi32>
      %and3A_142 = arith.constant 127 : i32
      %and3A_143 = vector.broadcast %and3A_142 : i32 to vector<16xi32>
      %and3A_144 = arith.andi %get3A_138, %and3A_143 : vector<16xi32>
      tpu.vector_store_idx %arg14[%shift_right_logical3A_141, %and3A_144], %broadcast_in_dim3A_41 {add = true} : memref<80x128xf32, #tpu.memory_space<vmem>>[vector<16xi32>, vector<16xi32>], vector<16xf32>,
      %get3A_145 = arith.constant 1 : i32
      %get3A_146 = arith.index_cast %get3A_145 : i32 to index
      %get3A_147 = arith.constant 32 : index
      %get3A_148 = tpu.vector_load %arg7[%get3A_146, %get3A_147] {strides = array<i32>} : memref<2x128xi32, #tpu.memory_space<vmem>>, vector<16xi32>,
      %shift_right_logical3A_149 = arith.constant 7 : i32
      %shift_right_logical3A_150 = vector.broadcast %shift_right_logical3A_149 : i32 to vector<16xi32>
      %shift_right_logical3A_151 = arith.shrui %get3A_148, %shift_right_logical3A_150 : vector<16xi32>
      %and3A_152 = arith.constant 127 : i32
      %and3A_153 = vector.broadcast %and3A_152 : i32 to vector<16xi32>
      %and3A_154 = arith.andi %get3A_148, %and3A_153 : vector<16xi32>
      tpu.vector_store_idx %arg14[%shift_right_logical3A_151, %and3A_154], %broadcast_in_dim3A_41 {add = true} : memref<80x128xf32, #tpu.memory_space<vmem>>[vector<16xi32>, vector<16xi32>], vector<16xf32>,
      %get3A_155 = arith.constant 1 : i32
      %get3A_156 = arith.index_cast %get3A_155 : i32 to index
      %get3A_157 = arith.constant 48 : index
      %get3A_158 = tpu.vector_load %arg7[%get3A_156, %get3A_157] {strides = array<i32>} : memref<2x128xi32, #tpu.memory_space<vmem>>, vector<16xi32>,
      %shift_right_logical3A_159 = arith.constant 7 : i32
      %shift_right_logical3A_160 = vector.broadcast %shift_right_logical3A_159 : i32 to vector<16xi32>
      %shift_right_logical3A_161 = arith.shrui %get3A_158, %shift_right_logical3A_160 : vector<16xi32>
      %and3A_162 = arith.constant 127 : i32
      %and3A_163 = vector.broadcast %and3A_162 : i32 to vector<16xi32>
      %and3A_164 = arith.andi %get3A_158, %and3A_163 : vector<16xi32>
      tpu.vector_store_idx %arg14[%shift_right_logical3A_161, %and3A_164], %broadcast_in_dim3A_41 {add = true} : memref<80x128xf32, #tpu.memory_space<vmem>>[vector<16xi32>, vector<16xi32>], vector<16xf32>,
      %get3A_165 = arith.constant 1 : i32
      %get3A_166 = arith.index_cast %get3A_165 : i32 to index
      %get3A_167 = arith.constant 64 : index
      %get3A_168 = tpu.vector_load %arg7[%get3A_166, %get3A_167] {strides = array<i32>} : memref<2x128xi32, #tpu.memory_space<vmem>>, vector<16xi32>,
      %shift_right_logical3A_169 = arith.constant 7 : i32
      %shift_right_logical3A_170 = vector.broadcast %shift_right_logical3A_169 : i32 to vector<16xi32>
      %shift_right_logical3A_171 = arith.shrui %get3A_168, %shift_right_logical3A_170 : vector<16xi32>
      %and3A_172 = arith.constant 127 : i32
      %and3A_173 = vector.broadcast %and3A_172 : i32 to vector<16xi32>
      %and3A_174 = arith.andi %get3A_168, %and3A_173 : vector<16xi32>
      tpu.vector_store_idx %arg14[%shift_right_logical3A_171, %and3A_174], %broadcast_in_dim3A_41 {add = true} : memref<80x128xf32, #tpu.memory_space<vmem>>[vector<16xi32>, vector<16xi32>], vector<16xf32>,
      %get3A_175 = arith.constant 1 : i32
      %get3A_176 = arith.index_cast %get3A_175 : i32 to index
      %get3A_177 = arith.constant 80 : index
      %get3A_178 = tpu.vector_load %arg7[%get3A_176, %get3A_177] {strides = array<i32>} : memref<2x128xi32, #tpu.memory_space<vmem>>, vector<16xi32>,
      %shift_right_logical3A_179 = arith.constant 7 : i32
      %shift_right_logical3A_180 = vector.broadcast %shift_right_logical3A_179 : i32 to vector<16xi32>
      %shift_right_logical3A_181 = arith.shrui %get3A_178, %shift_right_logical3A_180 : vector<16xi32>
      %and3A_182 = arith.constant 127 : i32
      %and3A_183 = vector.broadcast %and3A_182 : i32 to vector<16xi32>
      %and3A_184 = arith.andi %get3A_178, %and3A_183 : vector<16xi32>
      tpu.vector_store_idx %arg14[%shift_right_logical3A_181, %and3A_184], %broadcast_in_dim3A_41 {add = true} : memref<80x128xf32, #tpu.memory_space<vmem>>[vector<16xi32>, vector<16xi32>], vector<16xf32>,
      %get3A_185 = arith.constant 1 : i32
      %get3A_186 = arith.index_cast %get3A_185 : i32 to index
      %get3A_187 = arith.constant 96 : index
      %get3A_188 = tpu.vector_load %arg7[%get3A_186, %get3A_187] {strides = array<i32>} : memref<2x128xi32, #tpu.memory_space<vmem>>, vector<16xi32>,
      %shift_right_logical3A_189 = arith.constant 7 : i32
      %shift_right_logical3A_190 = vector.broadcast %shift_right_logical3A_189 : i32 to vector<16xi32>
      %shift_right_logical3A_191 = arith.shrui %get3A_188, %shift_right_logical3A_190 : vector<16xi32>
      %and3A_192 = arith.constant 127 : i32
      %and3A_193 = vector.broadcast %and3A_192 : i32 to vector<16xi32>
      %and3A_194 = arith.andi %get3A_188, %and3A_193 : vector<16xi32>
      tpu.vector_store_idx %arg14[%shift_right_logical3A_191, %and3A_194], %broadcast_in_dim3A_41 {add = true} : memref<80x128xf32, #tpu.memory_space<vmem>>[vector<16xi32>, vector<16xi32>], vector<16xf32>,
      %get3A_195 = arith.constant 1 : i32
      %get3A_196 = arith.index_cast %get3A_195 : i32 to index
      %get3A_197 = arith.constant 112 : index
      %get3A_198 = tpu.vector_load %arg7[%get3A_196, %get3A_197] {strides = array<i32>} : memref<2x128xi32, #tpu.memory_space<vmem>>, vector<16xi32>,
      %shift_right_logical3A_199 = arith.constant 7 : i32
      %shift_right_logical3A_200 = vector.broadcast %shift_right_logical3A_199 : i32 to vector<16xi32>
      %shift_right_logical3A_201 = arith.shrui %get3A_198, %shift_right_logical3A_200 : vector<16xi32>
      %and3A_202 = arith.constant 127 : i32
      %and3A_203 = vector.broadcast %and3A_202 : i32 to vector<16xi32>
      %and3A_204 = arith.andi %get3A_198, %and3A_203 : vector<16xi32>
      tpu.vector_store_idx %arg14[%shift_right_logical3A_201, %and3A_204], %broadcast_in_dim3A_41 {add = true} : memref<80x128xf32, #tpu.memory_space<vmem>>[vector<16xi32>, vector<16xi32>], vector<16xf32>,
      %mul3A_205 = arith.constant 2 : i32
      %mul3A_206 = arith.muli %while3A_101, %mul3A_205 : i32
      %add3A_207 = arith.constant 1 : i32
      %add3A_208 = arith.addi %mul3A_206, %add3A_207 : i32
      %add3A_209 = arith.constant 1 : i32
      %add3A_210 = arith.addi %add3A_208, %add3A_209 : i32
      %rem3A_211 = arith.remsi %add3A_210, %add3A_36 : i32
      %add3A_212 = arith.addi %add3A_40, %rem3A_211 : i32
      %mul3A_213 = arith.constant 128 : i32
      %mul3A_214 = arith.muli %add3A_212, %mul3A_213 : i32
      %multiple_of3A_215 = tpu.assume_multiple %mul3A_214, 128 : i32
      "tpu.region"() ({
        %run_scoped3A_311 = tpu.sem_alloc : memref<!tpu.dma_semaphore, #tpu.memory_space<semaphore_mem>>
        %dma_start3A_312 = arith.constant 0 : i32
        %dma_start3A_313 = tpu.memref_slice %arg3[%dma_start3A_312, %multiple_of3A_215] : memref<2x320000xi32, #tpu.memory_space<hbm>> -> memref<2x128xi32, #tpu.memory_space<hbm>>
        %dma_start3A_314 = arith.constant 0 : i32
        %dma_start3A_315 = tpu.memref_slice %arg3[%dma_start3A_314, %multiple_of3A_215] : memref<2x320000xi32, #tpu.memory_space<hbm>> -> memref<2x128xi32, #tpu.memory_space<hbm>>
        tpu.enqueue_dma source(%dma_start3A_315 : memref<2x128xi32, #tpu.memory_space<hbm>>) target(%arg7 : memref<2x128xi32, #tpu.memory_space<vmem>>) target_semaphore(%run_scoped3A_311 : memref<!tpu.dma_semaphore, #tpu.memory_space<semaphore_mem>>)
        %dma_wait3A_316 = arith.constant 0 : i32
        %dma_wait3A_317 = tpu.memref_slice %arg3[%dma_wait3A_316, %multiple_of3A_215] : memref<2x320000xi32, #tpu.memory_space<hbm>> -> memref<2x128xi32, #tpu.memory_space<hbm>>
        %dma_wait3A_318 = arith.constant 0 : i32
        %dma_wait3A_319 = tpu.memref_slice %arg3[%dma_wait3A_318, %multiple_of3A_215] : memref<2x320000xi32, #tpu.memory_space<hbm>> -> memref<2x128xi32, #tpu.memory_space<hbm>>
        tpu.wait_dma2 semaphore(%run_scoped3A_311 : memref<!tpu.dma_semaphore, #tpu.memory_space<semaphore_mem>>) src(%dma_wait3A_319 : memref<2x128xi32, #tpu.memory_space<hbm>>) dst(%arg7 : memref<2x128xi32, #tpu.memory_space<vmem>>)
        tpu.yield
      }) : () -> ()
      %dma_start3A_216 = arith.constant 0 : i32
      %dma_start3A_217 = arith.constant 0 : i32
      %dma_start3A_218 = tpu.memref_slice %arg7[%dma_start3A_216, %dma_start3A_217] : memref<2x128xi32, #tpu.memory_space<vmem>> -> memref<1x128xi32, #tpu.memory_space<vmem>>
      %dma_start3A_219 = tpu.memref_squeeze %dma_start3A_218 : memref<1x128xi32, #tpu.memory_space<vmem>> -> memref<128xi32, #tpu.memory_space<vmem>>
      %dma_start3A_220 = arith.constant 0 : i32
      %dma_start3A_221 = arith.constant 0 : i32
      %dma_start3A_222 = tpu.memref_slice %arg2[%dma_start3A_220, %dma_start3A_221] : memref<10000x128xf32, #tpu.memory_space<hbm>> -> memref<10000x128xf32, #tpu.memory_space<hbm>>
      tpu.enqueue_indirect_dma source(%dma_start3A_222 : memref<10000x128xf32, #tpu.memory_space<hbm>>) target(%arg9 : memref<128x128xf32, #tpu.memory_space<vmem>>) offsets(%dma_start3A_219 : memref<128xi32, #tpu.memory_space<vmem>>) semaphore(%arg11 : memref<!tpu.dma_semaphore, #tpu.memory_space<semaphore_mem>>)
      %dma_wait3A_223 = arith.constant 0 : i32
      %dma_wait3A_224 = arith.constant 0 : i32
      %dma_wait3A_225 = tpu.memref_slice %arg8[%dma_wait3A_223, %dma_wait3A_224] : memref<2x128xi32, #tpu.memory_space<vmem>> -> memref<1x128xi32, #tpu.memory_space<vmem>>
      %dma_wait3A_226 = tpu.memref_squeeze %dma_wait3A_225 : memref<1x128xi32, #tpu.memory_space<vmem>> -> memref<128xi32, #tpu.memory_space<vmem>>
      %dma_wait3A_227 = arith.constant 0 : i32
      %dma_wait3A_228 = arith.constant 0 : i32
      %dma_wait3A_229 = tpu.memref_slice %arg2[%dma_wait3A_227, %dma_wait3A_228] : memref<10000x128xf32, #tpu.memory_space<hbm>> -> memref<10000x128xf32, #tpu.memory_space<hbm>>
      tpu.wait_indirect_dma semaphore(%arg12 : memref<!tpu.dma_semaphore, #tpu.memory_space<semaphore_mem>>) src(%dma_wait3A_229 : memref<10000x128xf32, #tpu.memory_space<hbm>>) dst(%arg10 : memref<128x128xf32, #tpu.memory_space<vmem>>)
      %run_scoped3A_230 = arith.constant 1 : i32
      "tpu.region"() ({
        %run_scoped3A_311 = tpu.sem_alloc : memref<!tpu.dma_semaphore, #tpu.memory_space<semaphore_mem>>
        %dma_start3A_312 = arith.constant 0 : i32
        %dma_start3A_313 = tpu.memref_slice %arg8[%run_scoped3A_230, %dma_start3A_312] : memref<2x128xi32, #tpu.memory_space<vmem>> -> memref<1x128xi32, #tpu.memory_space<vmem>>
        %dma_start3A_314 = tpu.memref_squeeze %dma_start3A_313 : memref<1x128xi32, #tpu.memory_space<vmem>> -> memref<128xi32, #tpu.memory_space<vmem>>
        %dma_start3A_315 = arith.constant 0 : i32
        %dma_start3A_316 = arith.constant 0 : i32
        %dma_start3A_317 = tpu.memref_slice %arg13[%dma_start3A_315, %dma_start3A_316] : memref<10112x128xf32, #tpu.memory_space<vmem_shared>> -> memref<10112x128xf32, #tpu.memory_space<vmem_shared>>
        tpu.enqueue_indirect_dma source(%arg10 : memref<128x128xf32, #tpu.memory_space<vmem>>) target(%dma_start3A_317 : memref<10112x128xf32, #tpu.memory_space<vmem_shared>>) offsets(%dma_start3A_314 : memref<128xi32, #tpu.memory_space<vmem>>) semaphore(%run_scoped3A_311 : memref<!tpu.dma_semaphore, #tpu.memory_space<semaphore_mem>>) {add = true}
        %dma_wait3A_318 = arith.constant 0 : i32
        %dma_wait3A_319 = tpu.memref_slice %arg8[%run_scoped3A_230, %dma_wait3A_318] : memref<2x128xi32, #tpu.memory_space<vmem>> -> memref<1x128xi32, #tpu.memory_space<vmem>>
        %dma_wait3A_320 = tpu.memref_squeeze %dma_wait3A_319 : memref<1x128xi32, #tpu.memory_space<vmem>> -> memref<128xi32, #tpu.memory_space<vmem>>
        %dma_wait3A_321 = arith.constant 0 : i32
        %dma_wait3A_322 = arith.constant 0 : i32
        %dma_wait3A_323 = tpu.memref_slice %arg13[%dma_wait3A_321, %dma_wait3A_322] : memref<10112x128xf32, #tpu.memory_space<vmem_shared>> -> memref<10112x128xf32, #tpu.memory_space<vmem_shared>>
        tpu.wait_indirect_dma semaphore(%run_scoped3A_311 : memref<!tpu.dma_semaphore, #tpu.memory_space<semaphore_mem>>) src(%arg10 : memref<128x128xf32, #tpu.memory_space<vmem>>) dst(%dma_wait3A_323 : memref<10112x128xf32, #tpu.memory_space<vmem_shared>>)
        tpu.yield
      }) : () -> ()
      %get3A_231 = arith.constant 1 : i32
      %get3A_232 = arith.index_cast %get3A_231 : i32 to index
      %get3A_233 = arith.constant 0 : index
      %get3A_234 = tpu.vector_load %arg8[%get3A_232, %get3A_233] {strides = array<i32>} : memref<2x128xi32, #tpu.memory_space<vmem>>, vector<16xi32>,
      %shift_right_logical3A_235 = arith.constant 7 : i32
      %shift_right_logical3A_236 = vector.broadcast %shift_right_logical3A_235 : i32 to vector<16xi32>
      %shift_right_logical3A_237 = arith.shrui %get3A_234, %shift_right_logical3A_236 : vector<16xi32>
      %and3A_238 = arith.constant 127 : i32
      %and3A_239 = vector.broadcast %and3A_238 : i32 to vector<16xi32>
      %and3A_240 = arith.andi %get3A_234, %and3A_239 : vector<16xi32>
      tpu.vector_store_idx %arg14[%shift_right_logical3A_237, %and3A_240], %broadcast_in_dim3A_41 {add = true} : memref<80x128xf32, #tpu.memory_space<vmem>>[vector<16xi32>, vector<16xi32>], vector<16xf32>,
      %get3A_241 = arith.constant 1 : i32
      %get3A_242 = arith.index_cast %get3A_241 : i32 to index
      %get3A_243 = arith.constant 16 : index
      %get3A_244 = tpu.vector_load %arg8[%get3A_242, %get3A_243] {strides = array<i32>} : memref<2x128xi32, #tpu.memory_space<vmem>>, vector<16xi32>,
      %shift_right_logical3A_245 = arith.constant 7 : i32
      %shift_right_logical3A_246 = vector.broadcast %shift_right_logical3A_245 : i32 to vector<16xi32>
      %shift_right_logical3A_247 = arith.shrui %get3A_244, %shift_right_logical3A_246 : vector<16xi32>
      %and3A_248 = arith.constant 127 : i32
      %and3A_249 = vector.broadcast %and3A_248 : i32 to vector<16xi32>
      %and3A_250 = arith.andi %get3A_244, %and3A_249 : vector<16xi32>
      tpu.vector_store_idx %arg14[%shift_right_logical3A_247, %and3A_250], %broadcast_in_dim3A_41 {add = true} : memref<80x128xf32, #tpu.memory_space<vmem>>[vector<16xi32>, vector<16xi32>], vector<16xf32>,
      %get3A_251 = arith.constant 1 : i32
      %get3A_252 = arith.index_cast %get3A_251 : i32 to index
      %get3A_253 = arith.constant 32 : index
      %get3A_254 = tpu.vector_load %arg8[%get3A_252, %get3A_253] {strides = array<i32>} : memref<2x128xi32, #tpu.memory_space<vmem>>, vector<16xi32>,
      %shift_right_logical3A_255 = arith.constant 7 : i32
      %shift_right_logical3A_256 = vector.broadcast %shift_right_logical3A_255 : i32 to vector<16xi32>
      %shift_right_logical3A_257 = arith.shrui %get3A_254, %shift_right_logical3A_256 : vector<16xi32>
      %and3A_258 = arith.constant 127 : i32
      %and3A_259 = vector.broadcast %and3A_258 : i32 to vector<16xi32>
      %and3A_260 = arith.andi %get3A_254, %and3A_259 : vector<16xi32>
      tpu.vector_store_idx %arg14[%shift_right_logical3A_257, %and3A_260], %broadcast_in_dim3A_41 {add = true} : memref<80x128xf32, #tpu.memory_space<vmem>>[vector<16xi32>, vector<16xi32>], vector<16xf32>,
      %get3A_261 = arith.constant 1 : i32
      %get3A_262 = arith.index_cast %get3A_261 : i32 to index
      %get3A_263 = arith.constant 48 : index
      %get3A_264 = tpu.vector_load %arg8[%get3A_262, %get3A_263] {strides = array<i32>} : memref<2x128xi32, #tpu.memory_space<vmem>>, vector<16xi32>,
      %shift_right_logical3A_265 = arith.constant 7 : i32
      %shift_right_logical3A_266 = vector.broadcast %shift_right_logical3A_265 : i32 to vector<16xi32>
      %shift_right_logical3A_267 = arith.shrui %get3A_264, %shift_right_logical3A_266 : vector<16xi32>
      %and3A_268 = arith.constant 127 : i32
      %and3A_269 = vector.broadcast %and3A_268 : i32 to vector<16xi32>
      %and3A_270 = arith.andi %get3A_264, %and3A_269 : vector<16xi32>
      tpu.vector_store_idx %arg14[%shift_right_logical3A_267, %and3A_270], %broadcast_in_dim3A_41 {add = true} : memref<80x128xf32, #tpu.memory_space<vmem>>[vector<16xi32>, vector<16xi32>], vector<16xf32>,
      %get3A_271 = arith.constant 1 : i32
      %get3A_272 = arith.index_cast %get3A_271 : i32 to index
      %get3A_273 = arith.constant 64 : index
      %get3A_274 = tpu.vector_load %arg8[%get3A_272, %get3A_273] {strides = array<i32>} : memref<2x128xi32, #tpu.memory_space<vmem>>, vector<16xi32>,
      %shift_right_logical3A_275 = arith.constant 7 : i32
      %shift_right_logical3A_276 = vector.broadcast %shift_right_logical3A_275 : i32 to vector<16xi32>
      %shift_right_logical3A_277 = arith.shrui %get3A_274, %shift_right_logical3A_276 : vector<16xi32>
      %and3A_278 = arith.constant 127 : i32
      %and3A_279 = vector.broadcast %and3A_278 : i32 to vector<16xi32>
      %and3A_280 = arith.andi %get3A_274, %and3A_279 : vector<16xi32>
      tpu.vector_store_idx %arg14[%shift_right_logical3A_277, %and3A_280], %broadcast_in_dim3A_41 {add = true} : memref<80x128xf32, #tpu.memory_space<vmem>>[vector<16xi32>, vector<16xi32>], vector<16xf32>,
      %get3A_281 = arith.constant 1 : i32
      %get3A_282 = arith.index_cast %get3A_281 : i32 to index
      %get3A_283 = arith.constant 80 : index
      %get3A_284 = tpu.vector_load %arg8[%get3A_282, %get3A_283] {strides = array<i32>} : memref<2x128xi32, #tpu.memory_space<vmem>>, vector<16xi32>,
      %shift_right_logical3A_285 = arith.constant 7 : i32
      %shift_right_logical3A_286 = vector.broadcast %shift_right_logical3A_285 : i32 to vector<16xi32>
      %shift_right_logical3A_287 = arith.shrui %get3A_284, %shift_right_logical3A_286 : vector<16xi32>
      %and3A_288 = arith.constant 127 : i32
      %and3A_289 = vector.broadcast %and3A_288 : i32 to vector<16xi32>
      %and3A_290 = arith.andi %get3A_284, %and3A_289 : vector<16xi32>
      tpu.vector_store_idx %arg14[%shift_right_logical3A_287, %and3A_290], %broadcast_in_dim3A_41 {add = true} : memref<80x128xf32, #tpu.memory_space<vmem>>[vector<16xi32>, vector<16xi32>], vector<16xf32>,
      %get3A_291 = arith.constant 1 : i32
      %get3A_292 = arith.index_cast %get3A_291 : i32 to index
      %get3A_293 = arith.constant 96 : index
      %get3A_294 = tpu.vector_load %arg8[%get3A_292, %get3A_293] {strides = array<i32>} : memref<2x128xi32, #tpu.memory_space<vmem>>, vector<16xi32>,
      %shift_right_logical3A_295 = arith.constant 7 : i32
      %shift_right_logical3A_296 = vector.broadcast %shift_right_logical3A_295 : i32 to vector<16xi32>
      %shift_right_logical3A_297 = arith.shrui %get3A_294, %shift_right_logical3A_296 : vector<16xi32>
      %and3A_298 = arith.constant 127 : i32
      %and3A_299 = vector.broadcast %and3A_298 : i32 to vector<16xi32>
      %and3A_300 = arith.andi %get3A_294, %and3A_299 : vector<16xi32>
      tpu.vector_store_idx %arg14[%shift_right_logical3A_297, %and3A_300], %broadcast_in_dim3A_41 {add = true} : memref<80x128xf32, #tpu.memory_space<vmem>>[vector<16xi32>, vector<16xi32>], vector<16xf32>,
      %get3A_301 = arith.constant 1 : i32
      %get3A_302 = arith.index_cast %get3A_301 : i32 to index
      %get3A_303 = arith.constant 112 : index
      %get3A_304 = tpu.vector_load %arg8[%get3A_302, %get3A_303] {strides = array<i32>} : memref<2x128xi32, #tpu.memory_space<vmem>>, vector<16xi32>,
      %shift_right_logical3A_305 = arith.constant 7 : i32
      %shift_right_logical3A_306 = vector.broadcast %shift_right_logical3A_305 : i32 to vector<16xi32>
      %shift_right_logical3A_307 = arith.shrui %get3A_304, %shift_right_logical3A_306 : vector<16xi32>
      %and3A_308 = arith.constant 127 : i32
      %and3A_309 = vector.broadcast %and3A_308 : i32 to vector<16xi32>
      %and3A_310 = arith.andi %get3A_304, %and3A_309 : vector<16xi32>
      tpu.vector_store_idx %arg14[%shift_right_logical3A_307, %and3A_310], %broadcast_in_dim3A_41 {add = true} : memref<80x128xf32, #tpu.memory_space<vmem>>[vector<16xi32>, vector<16xi32>], vector<16xf32>,
    }
    %dma_wait3A = arith.constant 0 : i32
    %dma_wait3A_79 = arith.constant 0 : i32
    %dma_wait3A_80 = tpu.memref_slice %arg7[%dma_wait3A, %dma_wait3A_79] : memref<2x128xi32, #tpu.memory_space<vmem>> -> memref<1x128xi32, #tpu.memory_space<vmem>>
    %dma_wait3A_81 = tpu.memref_squeeze %dma_wait3A_80 : memref<1x128xi32, #tpu.memory_space<vmem>> -> memref<128xi32, #tpu.memory_space<vmem>>
    %dma_wait3A_82 = arith.constant 0 : i32
    %dma_wait3A_83 = arith.constant 0 : i32
    %dma_wait3A_84 = tpu.memref_slice %arg2[%dma_wait3A_82, %dma_wait3A_83] : memref<10000x128xf32, #tpu.memory_space<hbm>> -> memref<10000x128xf32, #tpu.memory_space<hbm>>
    tpu.wait_indirect_dma semaphore(%arg11 : memref<!tpu.dma_semaphore, #tpu.memory_space<semaphore_mem>>) src(%dma_wait3A_84 : memref<10000x128xf32, #tpu.memory_space<hbm>>) dst(%arg9 : memref<128x128xf32, #tpu.memory_space<vmem>>)
    %rem3A_85 = arith.constant 2 : i32
    %rem3A_86 = arith.remsi %add3A_36, %rem3A_85 : i32
    %eq3A_87 = arith.constant 1 : i32
    %eq3A_88 = arith.cmpi eq, %rem3A_86, %eq3A_87 : i32
    %convert_element_type3A_89 = arith.extui %eq3A_88 : i1 to i32
    %cond3A_90 = arith.constant 0 : i32
    %cond3A_91 = arith.cmpi ne, %convert_element_type3A_89, %cond3A_90 : i32
    scf.if %cond3A_91 {
      %sub3A_101 = arith.constant 1 : i32
      %sub3A_102 = arith.subi %add3A_36, %sub3A_101 : i32
      %add3A_103 = arith.addi %add3A_40, %sub3A_102 : i32
      %mul3A_104 = arith.constant 128 : i32
      %mul3A_105 = arith.muli %add3A_103, %mul3A_104 : i32
      %multiple_of3A_106 = tpu.assume_multiple %mul3A_105, 128 : i32
      "tpu.region"() ({
        %run_scoped3A_199 = tpu.sem_alloc : memref<!tpu.dma_semaphore, #tpu.memory_space<semaphore_mem>>
        %dma_start3A_200 = arith.constant 0 : i32
        %dma_start3A_201 = tpu.memref_slice %arg3[%dma_start3A_200, %multiple_of3A_106] : memref<2x320000xi32, #tpu.memory_space<hbm>> -> memref<2x128xi32, #tpu.memory_space<hbm>>
        %dma_start3A_202 = arith.constant 0 : i32
        %dma_start3A_203 = tpu.memref_slice %arg3[%dma_start3A_202, %multiple_of3A_106] : memref<2x320000xi32, #tpu.memory_space<hbm>> -> memref<2x128xi32, #tpu.memory_space<hbm>>
        tpu.enqueue_dma source(%dma_start3A_203 : memref<2x128xi32, #tpu.memory_space<hbm>>) target(%arg7 : memref<2x128xi32, #tpu.memory_space<vmem>>) target_semaphore(%run_scoped3A_199 : memref<!tpu.dma_semaphore, #tpu.memory_space<semaphore_mem>>)
        %dma_wait3A_204 = arith.constant 0 : i32
        %dma_wait3A_205 = tpu.memref_slice %arg3[%dma_wait3A_204, %multiple_of3A_106] : memref<2x320000xi32, #tpu.memory_space<hbm>> -> memref<2x128xi32, #tpu.memory_space<hbm>>
        %dma_wait3A_206 = arith.constant 0 : i32
        %dma_wait3A_207 = tpu.memref_slice %arg3[%dma_wait3A_206, %multiple_of3A_106] : memref<2x320000xi32, #tpu.memory_space<hbm>> -> memref<2x128xi32, #tpu.memory_space<hbm>>
        tpu.wait_dma2 semaphore(%run_scoped3A_199 : memref<!tpu.dma_semaphore, #tpu.memory_space<semaphore_mem>>) src(%dma_wait3A_207 : memref<2x128xi32, #tpu.memory_space<hbm>>) dst(%arg7 : memref<2x128xi32, #tpu.memory_space<vmem>>)
        tpu.yield
      }) : () -> ()
      %dma_start3A_107 = arith.constant 0 : i32
      %dma_start3A_108 = arith.constant 0 : i32
      %dma_start3A_109 = tpu.memref_slice %arg7[%dma_start3A_107, %dma_start3A_108] : memref<2x128xi32, #tpu.memory_space<vmem>> -> memref<1x128xi32, #tpu.memory_space<vmem>>
      %dma_start3A_110 = tpu.memref_squeeze %dma_start3A_109 : memref<1x128xi32, #tpu.memory_space<vmem>> -> memref<128xi32, #tpu.memory_space<vmem>>
      %dma_start3A_111 = arith.constant 0 : i32
      %dma_start3A_112 = arith.constant 0 : i32
      %dma_start3A_113 = tpu.memref_slice %arg2[%dma_start3A_111, %dma_start3A_112] : memref<10000x128xf32, #tpu.memory_space<hbm>> -> memref<10000x128xf32, #tpu.memory_space<hbm>>
      tpu.enqueue_indirect_dma source(%dma_start3A_113 : memref<10000x128xf32, #tpu.memory_space<hbm>>) target(%arg9 : memref<128x128xf32, #tpu.memory_space<vmem>>) offsets(%dma_start3A_110 : memref<128xi32, #tpu.memory_space<vmem>>) semaphore(%arg11 : memref<!tpu.dma_semaphore, #tpu.memory_space<semaphore_mem>>)
      %dma_wait3A_114 = arith.constant 0 : i32
      %dma_wait3A_115 = arith.constant 0 : i32
      %dma_wait3A_116 = tpu.memref_slice %arg7[%dma_wait3A_114, %dma_wait3A_115] : memref<2x128xi32, #tpu.memory_space<vmem>> -> memref<1x128xi32, #tpu.memory_space<vmem>>
      %dma_wait3A_117 = tpu.memref_squeeze %dma_wait3A_116 : memref<1x128xi32, #tpu.memory_space<vmem>> -> memref<128xi32, #tpu.memory_space<vmem>>
      %dma_wait3A_118 = arith.constant 0 : i32
      %dma_wait3A_119 = arith.constant 0 : i32
      %dma_wait3A_120 = tpu.memref_slice %arg2[%dma_wait3A_118, %dma_wait3A_119] : memref<10000x128xf32, #tpu.memory_space<hbm>> -> memref<10000x128xf32, #tpu.memory_space<hbm>>
      tpu.wait_indirect_dma semaphore(%arg11 : memref<!tpu.dma_semaphore, #tpu.memory_space<semaphore_mem>>) src(%dma_wait3A_120 : memref<10000x128xf32, #tpu.memory_space<hbm>>) dst(%arg9 : memref<128x128xf32, #tpu.memory_space<vmem>>)
      %run_scoped3A = arith.constant 1 : i32
      "tpu.region"() ({
        %run_scoped3A_199 = tpu.sem_alloc : memref<!tpu.dma_semaphore, #tpu.memory_space<semaphore_mem>>
        %dma_start3A_200 = arith.constant 0 : i32
        %dma_start3A_201 = tpu.memref_slice %arg7[%run_scoped3A, %dma_start3A_200] : memref<2x128xi32, #tpu.memory_space<vmem>> -> memref<1x128xi32, #tpu.memory_space<vmem>>
        %dma_start3A_202 = tpu.memref_squeeze %dma_start3A_201 : memref<1x128xi32, #tpu.memory_space<vmem>> -> memref<128xi32, #tpu.memory_space<vmem>>
        %dma_start3A_203 = arith.constant 0 : i32
        %dma_start3A_204 = arith.constant 0 : i32
        %dma_start3A_205 = tpu.memref_slice %arg13[%dma_start3A_203, %dma_start3A_204] : memref<10112x128xf32, #tpu.memory_space<vmem_shared>> -> memref<10112x128xf32, #tpu.memory_space<vmem_shared>>
        tpu.enqueue_indirect_dma source(%arg9 : memref<128x128xf32, #tpu.memory_space<vmem>>) target(%dma_start3A_205 : memref<10112x128xf32, #tpu.memory_space<vmem_shared>>) offsets(%dma_start3A_202 : memref<128xi32, #tpu.memory_space<vmem>>) semaphore(%run_scoped3A_199 : memref<!tpu.dma_semaphore, #tpu.memory_space<semaphore_mem>>) {add = true}
        %dma_wait3A_206 = arith.constant 0 : i32
        %dma_wait3A_207 = tpu.memref_slice %arg7[%run_scoped3A, %dma_wait3A_206] : memref<2x128xi32, #tpu.memory_space<vmem>> -> memref<1x128xi32, #tpu.memory_space<vmem>>
        %dma_wait3A_208 = tpu.memref_squeeze %dma_wait3A_207 : memref<1x128xi32, #tpu.memory_space<vmem>> -> memref<128xi32, #tpu.memory_space<vmem>>
        %dma_wait3A_209 = arith.constant 0 : i32
        %dma_wait3A_210 = arith.constant 0 : i32
        %dma_wait3A_211 = tpu.memref_slice %arg13[%dma_wait3A_209, %dma_wait3A_210] : memref<10112x128xf32, #tpu.memory_space<vmem_shared>> -> memref<10112x128xf32, #tpu.memory_space<vmem_shared>>
        tpu.wait_indirect_dma semaphore(%run_scoped3A_199 : memref<!tpu.dma_semaphore, #tpu.memory_space<semaphore_mem>>) src(%arg9 : memref<128x128xf32, #tpu.memory_space<vmem>>) dst(%dma_wait3A_211 : memref<10112x128xf32, #tpu.memory_space<vmem_shared>>)
        tpu.yield
      }) : () -> ()
      %get3A = arith.constant 1 : i32
      %get3A_121 = arith.index_cast %get3A : i32 to index
      %get3A_122 = arith.constant 0 : index
      %get3A_123 = tpu.vector_load %arg7[%get3A_121, %get3A_122] {strides = array<i32>} : memref<2x128xi32, #tpu.memory_space<vmem>>, vector<16xi32>,
      %shift_right_logical3A = arith.constant 7 : i32
      %shift_right_logical3A_124 = vector.broadcast %shift_right_logical3A : i32 to vector<16xi32>
      %shift_right_logical3A_125 = arith.shrui %get3A_123, %shift_right_logical3A_124 : vector<16xi32>
      %and3A_126 = arith.constant 127 : i32
      %and3A_127 = vector.broadcast %and3A_126 : i32 to vector<16xi32>
      %and3A_128 = arith.andi %get3A_123, %and3A_127 : vector<16xi32>
      tpu.vector_store_idx %arg14[%shift_right_logical3A_125, %and3A_128], %broadcast_in_dim3A_41 {add = true} : memref<80x128xf32, #tpu.memory_space<vmem>>[vector<16xi32>, vector<16xi32>], vector<16xf32>,
      %get3A_129 = arith.constant 1 : i32
      %get3A_130 = arith.index_cast %get3A_129 : i32 to index
      %get3A_131 = arith.constant 16 : index
      %get3A_132 = tpu.vector_load %arg7[%get3A_130, %get3A_131] {strides = array<i32>} : memref<2x128xi32, #tpu.memory_space<vmem>>, vector<16xi32>,
      %shift_right_logical3A_133 = arith.constant 7 : i32
      %shift_right_logical3A_134 = vector.broadcast %shift_right_logical3A_133 : i32 to vector<16xi32>
      %shift_right_logical3A_135 = arith.shrui %get3A_132, %shift_right_logical3A_134 : vector<16xi32>
      %and3A_136 = arith.constant 127 : i32
      %and3A_137 = vector.broadcast %and3A_136 : i32 to vector<16xi32>
      %and3A_138 = arith.andi %get3A_132, %and3A_137 : vector<16xi32>
      tpu.vector_store_idx %arg14[%shift_right_logical3A_135, %and3A_138], %broadcast_in_dim3A_41 {add = true} : memref<80x128xf32, #tpu.memory_space<vmem>>[vector<16xi32>, vector<16xi32>], vector<16xf32>,
      %get3A_139 = arith.constant 1 : i32
      %get3A_140 = arith.index_cast %get3A_139 : i32 to index
      %get3A_141 = arith.constant 32 : index
      %get3A_142 = tpu.vector_load %arg7[%get3A_140, %get3A_141] {strides = array<i32>} : memref<2x128xi32, #tpu.memory_space<vmem>>, vector<16xi32>,
      %shift_right_logical3A_143 = arith.constant 7 : i32
      %shift_right_logical3A_144 = vector.broadcast %shift_right_logical3A_143 : i32 to vector<16xi32>
      %shift_right_logical3A_145 = arith.shrui %get3A_142, %shift_right_logical3A_144 : vector<16xi32>
      %and3A_146 = arith.constant 127 : i32
      %and3A_147 = vector.broadcast %and3A_146 : i32 to vector<16xi32>
      %and3A_148 = arith.andi %get3A_142, %and3A_147 : vector<16xi32>
      tpu.vector_store_idx %arg14[%shift_right_logical3A_145, %and3A_148], %broadcast_in_dim3A_41 {add = true} : memref<80x128xf32, #tpu.memory_space<vmem>>[vector<16xi32>, vector<16xi32>], vector<16xf32>,
      %get3A_149 = arith.constant 1 : i32
      %get3A_150 = arith.index_cast %get3A_149 : i32 to index
      %get3A_151 = arith.constant 48 : index
      %get3A_152 = tpu.vector_load %arg7[%get3A_150, %get3A_151] {strides = array<i32>} : memref<2x128xi32, #tpu.memory_space<vmem>>, vector<16xi32>,
      %shift_right_logical3A_153 = arith.constant 7 : i32
      %shift_right_logical3A_154 = vector.broadcast %shift_right_logical3A_153 : i32 to vector<16xi32>
      %shift_right_logical3A_155 = arith.shrui %get3A_152, %shift_right_logical3A_154 : vector<16xi32>
      %and3A_156 = arith.constant 127 : i32
      %and3A_157 = vector.broadcast %and3A_156 : i32 to vector<16xi32>
      %and3A_158 = arith.andi %get3A_152, %and3A_157 : vector<16xi32>
      tpu.vector_store_idx %arg14[%shift_right_logical3A_155, %and3A_158], %broadcast_in_dim3A_41 {add = true} : memref<80x128xf32, #tpu.memory_space<vmem>>[vector<16xi32>, vector<16xi32>], vector<16xf32>,
      %get3A_159 = arith.constant 1 : i32
      %get3A_160 = arith.index_cast %get3A_159 : i32 to index
      %get3A_161 = arith.constant 64 : index
      %get3A_162 = tpu.vector_load %arg7[%get3A_160, %get3A_161] {strides = array<i32>} : memref<2x128xi32, #tpu.memory_space<vmem>>, vector<16xi32>,
      %shift_right_logical3A_163 = arith.constant 7 : i32
      %shift_right_logical3A_164 = vector.broadcast %shift_right_logical3A_163 : i32 to vector<16xi32>
      %shift_right_logical3A_165 = arith.shrui %get3A_162, %shift_right_logical3A_164 : vector<16xi32>
      %and3A_166 = arith.constant 127 : i32
      %and3A_167 = vector.broadcast %and3A_166 : i32 to vector<16xi32>
      %and3A_168 = arith.andi %get3A_162, %and3A_167 : vector<16xi32>
      tpu.vector_store_idx %arg14[%shift_right_logical3A_165, %and3A_168], %broadcast_in_dim3A_41 {add = true} : memref<80x128xf32, #tpu.memory_space<vmem>>[vector<16xi32>, vector<16xi32>], vector<16xf32>,
      %get3A_169 = arith.constant 1 : i32
      %get3A_170 = arith.index_cast %get3A_169 : i32 to index
      %get3A_171 = arith.constant 80 : index
      %get3A_172 = tpu.vector_load %arg7[%get3A_170, %get3A_171] {strides = array<i32>} : memref<2x128xi32, #tpu.memory_space<vmem>>, vector<16xi32>,
      %shift_right_logical3A_173 = arith.constant 7 : i32
      %shift_right_logical3A_174 = vector.broadcast %shift_right_logical3A_173 : i32 to vector<16xi32>
      %shift_right_logical3A_175 = arith.shrui %get3A_172, %shift_right_logical3A_174 : vector<16xi32>
      %and3A_176 = arith.constant 127 : i32
      %and3A_177 = vector.broadcast %and3A_176 : i32 to vector<16xi32>
      %and3A_178 = arith.andi %get3A_172, %and3A_177 : vector<16xi32>
      tpu.vector_store_idx %arg14[%shift_right_logical3A_175, %and3A_178], %broadcast_in_dim3A_41 {add = true} : memref<80x128xf32, #tpu.memory_space<vmem>>[vector<16xi32>, vector<16xi32>], vector<16xf32>,
      %get3A_179 = arith.constant 1 : i32
      %get3A_180 = arith.index_cast %get3A_179 : i32 to index
      %get3A_181 = arith.constant 96 : index
      %get3A_182 = tpu.vector_load %arg7[%get3A_180, %get3A_181] {strides = array<i32>} : memref<2x128xi32, #tpu.memory_space<vmem>>, vector<16xi32>,
      %shift_right_logical3A_183 = arith.constant 7 : i32
      %shift_right_logical3A_184 = vector.broadcast %shift_right_logical3A_183 : i32 to vector<16xi32>
      %shift_right_logical3A_185 = arith.shrui %get3A_182, %shift_right_logical3A_184 : vector<16xi32>
      %and3A_186 = arith.constant 127 : i32
      %and3A_187 = vector.broadcast %and3A_186 : i32 to vector<16xi32>
      %and3A_188 = arith.andi %get3A_182, %and3A_187 : vector<16xi32>
      tpu.vector_store_idx %arg14[%shift_right_logical3A_185, %and3A_188], %broadcast_in_dim3A_41 {add = true} : memref<80x128xf32, #tpu.memory_space<vmem>>[vector<16xi32>, vector<16xi32>], vector<16xf32>,
      %get3A_189 = arith.constant 1 : i32
      %get3A_190 = arith.index_cast %get3A_189 : i32 to index
      %get3A_191 = arith.constant 112 : index
      %get3A_192 = tpu.vector_load %arg7[%get3A_190, %get3A_191] {strides = array<i32>} : memref<2x128xi32, #tpu.memory_space<vmem>>, vector<16xi32>,
      %shift_right_logical3A_193 = arith.constant 7 : i32
      %shift_right_logical3A_194 = vector.broadcast %shift_right_logical3A_193 : i32 to vector<16xi32>
      %shift_right_logical3A_195 = arith.shrui %get3A_192, %shift_right_logical3A_194 : vector<16xi32>
      %and3A_196 = arith.constant 127 : i32
      %and3A_197 = vector.broadcast %and3A_196 : i32 to vector<16xi32>
      %and3A_198 = arith.andi %get3A_192, %and3A_197 : vector<16xi32>
      tpu.vector_store_idx %arg14[%shift_right_logical3A_195, %and3A_198], %broadcast_in_dim3A_41 {add = true} : memref<80x128xf32, #tpu.memory_space<vmem>>[vector<16xi32>, vector<16xi32>], vector<16xf32>,
    } else {
    }
    "tpu.region"() ({
      %run_scoped3A = tpu.sem_alloc : memref<!tpu.dma_semaphore, #tpu.memory_space<semaphore_mem>>
      %dma_start3A_101 = arith.constant 0 : i32
      %dma_start3A_102 = arith.constant 0 : i32
      %dma_start3A_103 = tpu.memref_slice %arg16[%dma_start3A_101, %dma_start3A_102] : memref<80x128xf32, #tpu.memory_space<vmem_shared>> -> memref<80x128xf32, #tpu.memory_space<vmem_shared>>
      tpu.enqueue_indirect_dma source(%arg14 : memref<80x128xf32, #tpu.memory_space<vmem>>) target(%dma_start3A_103 : memref<80x128xf32, #tpu.memory_space<vmem_shared>>) offsets(%arg15 : memref<80xi32, #tpu.memory_space<vmem>>) semaphore(%run_scoped3A : memref<!tpu.dma_semaphore, #tpu.memory_space<semaphore_mem>>) {add = true}
      %dma_wait3A_104 = arith.constant 0 : i32
      %dma_wait3A_105 = arith.constant 0 : i32
      %dma_wait3A_106 = tpu.memref_slice %arg16[%dma_wait3A_104, %dma_wait3A_105] : memref<80x128xf32, #tpu.memory_space<vmem_shared>> -> memref<80x128xf32, #tpu.memory_space<vmem_shared>>
      tpu.wait_indirect_dma semaphore(%run_scoped3A : memref<!tpu.dma_semaphore, #tpu.memory_space<semaphore_mem>>) src(%arg14 : memref<80x128xf32, #tpu.memory_space<vmem>>) dst(%dma_wait3A_106 : memref<80x128xf32, #tpu.memory_space<vmem_shared>>)
      tpu.yield
    }) : () -> ()
    %barrier3A_92 = arith.constant 0 : index
    tpu.barrier barrier_id(%barrier3A_92)
    %mul3A_93 = arith.constant 10112 : i32
    %mul3A_94 = arith.muli %arg0, %mul3A_93 : i32
    %add3A_95 = arith.addi %mul3A_94, %mul3A_2 : i32
    "tpu.region"() ({
      %run_scoped3A = tpu.sem_alloc : memref<!tpu.dma_semaphore, #tpu.memory_space<semaphore_mem>>
      %dma_start3A_101 = arith.constant 0 : i32
      %dma_start3A_102 = tpu.memref_slice %arg5[%add3A_95, %dma_start3A_101] : memref<20224x128xf32, #tpu.memory_space<hbm>> -> memref<632x128xf32, #tpu.memory_space<hbm>>
      %dma_start3A_103 = arith.constant 0 : i32
      %dma_start3A_104 = tpu.memref_slice %arg13[%mul3A_2, %dma_start3A_103] : memref<10112x128xf32, #tpu.memory_space<vmem_shared>> -> memref<632x128xf32, #tpu.memory_space<vmem_shared>>
      tpu.enqueue_dma source(%dma_start3A_104 : memref<632x128xf32, #tpu.memory_space<vmem_shared>>) target(%dma_start3A_102 : memref<632x128xf32, #tpu.memory_space<hbm>>) target_semaphore(%run_scoped3A : memref<!tpu.dma_semaphore, #tpu.memory_space<semaphore_mem>>)
      %dma_wait3A_105 = arith.constant 0 : i32
      %dma_wait3A_106 = tpu.memref_slice %arg5[%add3A_95, %dma_wait3A_105] : memref<20224x128xf32, #tpu.memory_space<hbm>> -> memref<632x128xf32, #tpu.memory_space<hbm>>
      %dma_wait3A_107 = arith.constant 0 : i32
      %dma_wait3A_108 = tpu.memref_slice %arg13[%mul3A_2, %dma_wait3A_107] : memref<10112x128xf32, #tpu.memory_space<vmem_shared>> -> memref<632x128xf32, #tpu.memory_space<vmem_shared>>
      tpu.wait_dma2 semaphore(%run_scoped3A : memref<!tpu.dma_semaphore, #tpu.memory_space<semaphore_mem>>) src(%dma_wait3A_108 : memref<632x128xf32, #tpu.memory_space<vmem_shared>>) dst(%dma_wait3A_106 : memref<632x128xf32, #tpu.memory_space<hbm>>)
      tpu.yield
    }) : () -> ()
    %eq3A_96 = arith.constant 0 : i32
    %eq3A_97 = arith.cmpi eq, %arg1, %eq3A_96 : i32
    %convert_element_type3A_98 = arith.extui %eq3A_97 : i1 to i32
    %cond3A_99 = arith.constant 0 : i32
    %cond3A_100 = arith.cmpi ne, %convert_element_type3A_98, %cond3A_99 : i32
    scf.if %cond3A_100 {
      %mul3A_101 = arith.constant 80 : i32
      %mul3A_102 = arith.muli %arg0, %mul3A_101 : i32
      "tpu.region"() ({
        %run_scoped3A = tpu.sem_alloc : memref<!tpu.dma_semaphore, #tpu.memory_space<semaphore_mem>>
        %dma_start3A_103 = arith.constant 0 : i32
        %dma_start3A_104 = tpu.memref_slice %arg6[%mul3A_102, %dma_start3A_103] : memref<160x128xf32, #tpu.memory_space<hbm>> -> memref<80x128xf32, #tpu.memory_space<hbm>>
        tpu.enqueue_dma source(%arg16 : memref<80x128xf32, #tpu.memory_space<vmem_shared>>) target(%dma_start3A_104 : memref<80x128xf32, #tpu.memory_space<hbm>>) target_semaphore(%run_scoped3A : memref<!tpu.dma_semaphore, #tpu.memory_space<semaphore_mem>>)
        %dma_wait3A_105 = arith.constant 0 : i32
        %dma_wait3A_106 = tpu.memref_slice %arg6[%mul3A_102, %dma_wait3A_105] : memref<160x128xf32, #tpu.memory_space<hbm>> -> memref<80x128xf32, #tpu.memory_space<hbm>>
        tpu.wait_dma2 semaphore(%run_scoped3A : memref<!tpu.dma_semaphore, #tpu.memory_space<semaphore_mem>>) src(%arg16 : memref<80x128xf32, #tpu.memory_space<vmem_shared>>) dst(%dma_wait3A_106 : memref<80x128xf32, #tpu.memory_space<hbm>>)
        tpu.yield
      }) : () -> ()
    } else {
    }
    return
  }
}

module attributes {stable_mosaic.version = 14 : i64} {
  func.func @body(%arg0: i32, %arg1: memref<1264x128xf32, #tpu.memory_space<vmem>>, %arg2: memref<1264x128xf32, #tpu.memory_space<vmem>>, %arg3: memref<1264x1xf32, #tpu.memory_space<vmem>>, %arg4: memref<1264x128xf32, #tpu.memory_space<vmem>>, %arg5: memref<128x128xf32, #tpu.memory_space<vmem>>, %arg6: memref<128x128xf32, #tpu.memory_space<vmem>>, %arg7: memref<1x128xf32, #tpu.memory_space<vmem>>, %arg8: memref<1264x128xf32, #tpu.memory_space<vmem>>) attributes {dimension_semantics = [#tpu.dimension_semantics<arbitrary>], iteration_bounds = array<i64: 8>, scalar_prefetch = 0 : i64, scratch_operands = 0 : i64, tpu.core_type = #tpu.core_type<tc>, window_params = [{transform_indices = @transform_0, window_bounds = array<i64: 1264, 128>}, {transform_indices = @transform_1, window_bounds = array<i64: 1264, 128>}, {transform_indices = @transform_2, window_bounds = array<i64: 1264, 1>}, {transform_indices = @transform_3, window_bounds = array<i64: 1264, 128>}, {pipeline_mode = #tpu.pipeline_mode<synchronous>, transform_indices = @transform_4, window_bounds = array<i64: 128, 128>}, {pipeline_mode = #tpu.pipeline_mode<synchronous>, transform_indices = @transform_5, window_bounds = array<i64: 128, 128>}, {pipeline_mode = #tpu.pipeline_mode<synchronous>, transform_indices = @transform_6, window_bounds = array<i64: 1, 128>}, {transform_indices = @transform_7, window_bounds = array<i64: 1264, 128>}]} {
    %get3A = arith.constant 0 : index
    %get3A_0 = arith.constant 0 : index
    %get3A_1 = vector.load %arg1[%get3A, %get3A_0] : memref<1264x128xf32, #tpu.memory_space<vmem>>, vector<1264x128xf32>
    %get3A_2 = arith.constant 0 : index
    %get3A_3 = arith.constant 0 : index
    %get3A_4 = vector.load %arg2[%get3A_2, %get3A_3] : memref<1264x128xf32, #tpu.memory_space<vmem>>, vector<1264x128xf32>
    %add3A = arith.addf %get3A_1, %get3A_4 : vector<1264x128xf32>
    %get3A_5 = arith.constant 0 : index
    %get3A_6 = arith.constant 0 : index
    %get3A_7 = vector.load %arg3[%get3A_5, %get3A_6] : memref<1264x1xf32, #tpu.memory_space<vmem>>, vector<1264x1xf32>
    %div3A = vector.broadcast %get3A_7 : vector<1264x1xf32> to vector<1264x128xf32>
    %div3A_8 = arith.divf %add3A, %div3A : vector<1264x128xf32>
    %get3A_9 = arith.constant 0 : index
    %get3A_10 = arith.constant 0 : index
    %get3A_11 = vector.load %arg5[%get3A_9, %get3A_10] : memref<128x128xf32, #tpu.memory_space<vmem>>, vector<128x128xf32>
    %dot_general3A = arith.constant dense<0.000000e+00> : vector<1264x128xf32>
    %dot_general3A_12 = tpu.matmul %div3A_8, %get3A_11, %dot_general3A {dimension_numbers = #tpu.dot_dimension_numbers<[1], [0], [0], [1], [0, 0, 1, 1], [], []>, transpose_lhs_hint = false} : vector<1264x128xf32>, vector<128x128xf32>, vector<1264x128xf32> -> vector<1264x128xf32>
    %get3A_13 = arith.constant 0 : index
    %get3A_14 = arith.constant 0 : index
    %get3A_15 = vector.load %arg4[%get3A_13, %get3A_14] : memref<1264x128xf32, #tpu.memory_space<vmem>>, vector<1264x128xf32>
    %get3A_16 = arith.constant 0 : index
    %get3A_17 = arith.constant 0 : index
    %get3A_18 = vector.load %arg6[%get3A_16, %get3A_17] : memref<128x128xf32, #tpu.memory_space<vmem>>, vector<128x128xf32>
    %dot_general3A_19 = arith.constant dense<0.000000e+00> : vector<1264x128xf32>
    %dot_general3A_20 = tpu.matmul %get3A_15, %get3A_18, %dot_general3A_19 {dimension_numbers = #tpu.dot_dimension_numbers<[1], [0], [0], [1], [0, 0, 1, 1], [], []>, transpose_lhs_hint = false} : vector<1264x128xf32>, vector<128x128xf32>, vector<1264x128xf32> -> vector<1264x128xf32>
    %add3A_21 = arith.addf %dot_general3A_12, %dot_general3A_20 : vector<1264x128xf32>
    %get3A_22 = arith.constant 0 : index
    %get3A_23 = arith.constant 0 : index
    %get3A_24 = vector.load %arg7[%get3A_22, %get3A_23] : memref<1x128xf32, #tpu.memory_space<vmem>>, vector<1x128xf32>
    %add3A_25 = vector.broadcast %get3A_24 : vector<1x128xf32> to vector<1264x128xf32>
    %add3A_26 = arith.addf %add3A_21, %add3A_25 : vector<1264x128xf32>
    %max3A = arith.constant 0.000000e+00 : f32
    %max3A_27 = vector.broadcast %max3A : f32 to vector<1264x128xf32>
    %max3A_28 = arith.maximumf %add3A_26, %max3A_27 : vector<1264x128xf32>
    %swap3A = arith.constant 0 : index
    %swap3A_29 = arith.constant 0 : index
    %swap3A_30 = vector.load %arg8[%swap3A, %swap3A_29] : memref<1264x128xf32, #tpu.memory_space<vmem>>, vector<1264x128xf32>
    tpu.vector_store %arg8[%swap3A, %swap3A_29], %max3A_28 {strides = array<i32>} : memref<1264x128xf32, #tpu.memory_space<vmem>>, vector<1264x128xf32>,
    return
  }
  func.func @transform_0(%arg0: i32) -> (i32, i32) {
    %c0_i32 = arith.constant 0 : i32
    %c0_i32_0 = arith.constant 0 : i32
    return %arg0, %c0_i32 : i32, i32
  }
  func.func @transform_1(%arg0: i32) -> (i32, i32) {
    %add3A = arith.constant 8 : i32
    %add3A_0 = arith.addi %arg0, %add3A : i32
    %c0_i32 = arith.constant 0 : i32
    %c0_i32_1 = arith.constant 0 : i32
    return %add3A_0, %c0_i32 : i32, i32
  }
  func.func @transform_2(%arg0: i32) -> (i32, i32) {
    %c0_i32 = arith.constant 0 : i32
    %c0_i32_0 = arith.constant 0 : i32
    return %arg0, %c0_i32 : i32, i32
  }
  func.func @transform_3(%arg0: i32) -> (i32, i32) {
    %c0_i32 = arith.constant 0 : i32
    %c0_i32_0 = arith.constant 0 : i32
    return %arg0, %c0_i32 : i32, i32
  }
  func.func @transform_4(%arg0: i32) -> (i32, i32) {
    %c0_i32 = arith.constant 0 : i32
    %c0_i32_0 = arith.constant 0 : i32
    %c0_i32_1 = arith.constant 0 : i32
    return %c0_i32, %c0_i32_0 : i32, i32
  }
  func.func @transform_5(%arg0: i32) -> (i32, i32) {
    %c0_i32 = arith.constant 0 : i32
    %c0_i32_0 = arith.constant 0 : i32
    %c0_i32_1 = arith.constant 0 : i32
    return %c0_i32, %c0_i32_0 : i32, i32
  }
  func.func @transform_6(%arg0: i32) -> (i32, i32) {
    %c0_i32 = arith.constant 0 : i32
    %c0_i32_0 = arith.constant 0 : i32
    %c0_i32_1 = arith.constant 0 : i32
    return %c0_i32, %c0_i32_0 : i32, i32
  }
  func.func @transform_7(%arg0: i32) -> (i32, i32) {
    %c0_i32 = arith.constant 0 : i32
    %c0_i32_0 = arith.constant 0 : i32
    return %arg0, %c0_i32 : i32, i32
  }
}

module attributes {stable_mosaic.version = 14 : i64} {
  func.func @body(%arg0: memref<64x128xf32, #tpu.memory_space<vmem>>, %arg1: memref<64x128xf32, #tpu.memory_space<vmem>>, %arg2: memref<128x128xf32, #tpu.memory_space<vmem>>, %arg3: memref<1x128xf32, #tpu.memory_space<vmem>>, %arg4: memref<128x10xf32, #tpu.memory_space<vmem>>, %arg5: memref<1x10xf32, #tpu.memory_space<vmem>>, %arg6: memref<64x10xf32, #tpu.memory_space<vmem>>) attributes {dimension_semantics = [], scalar_prefetch = 0 : i64, scratch_operands = 0 : i64, tpu.core_type = #tpu.core_type<tc>} {
    %get3A = arith.constant 0 : index
    %get3A_0 = arith.constant 0 : index
    %get3A_1 = vector.load %arg0[%get3A, %get3A_0] : memref<64x128xf32, #tpu.memory_space<vmem>>, vector<64x128xf32>
    %get3A_2 = arith.constant 0 : index
    %get3A_3 = arith.constant 0 : index
    %get3A_4 = vector.load %arg1[%get3A_2, %get3A_3] : memref<64x128xf32, #tpu.memory_space<vmem>>, vector<64x128xf32>
    %max3A = arith.constant 1.000000e+00 : f32
    %max3A_5 = vector.broadcast %max3A : f32 to vector<64x128xf32>
    %max3A_6 = arith.maximumf %get3A_4, %max3A_5 : vector<64x128xf32>
    %div3A = arith.divf %get3A_1, %max3A_6 : vector<64x128xf32>
    %get3A_7 = arith.constant 0 : index
    %get3A_8 = arith.constant 0 : index
    %get3A_9 = vector.load %arg2[%get3A_7, %get3A_8] : memref<128x128xf32, #tpu.memory_space<vmem>>, vector<128x128xf32>
    %dot_general3A = arith.constant dense<0.000000e+00> : vector<64x128xf32>
    %dot_general3A_10 = tpu.matmul %div3A, %get3A_9, %dot_general3A {dimension_numbers = #tpu.dot_dimension_numbers<[1], [0], [0], [1], [0, 0, 1, 1], [], []>, transpose_lhs_hint = false} : vector<64x128xf32>, vector<128x128xf32>, vector<64x128xf32> -> vector<64x128xf32>
    %get3A_11 = arith.constant 0 : index
    %get3A_12 = arith.constant 0 : index
    %get3A_13 = vector.load %arg3[%get3A_11, %get3A_12] : memref<1x128xf32, #tpu.memory_space<vmem>>, vector<1x128xf32>
    %add3A = vector.broadcast %get3A_13 : vector<1x128xf32> to vector<64x128xf32>
    %add3A_14 = arith.addf %dot_general3A_10, %add3A : vector<64x128xf32>
    %max3A_15 = arith.constant 0.000000e+00 : f32
    %max3A_16 = vector.broadcast %max3A_15 : f32 to vector<64x128xf32>
    %max3A_17 = arith.maximumf %add3A_14, %max3A_16 : vector<64x128xf32>
    %get3A_18 = arith.constant 0 : index
    %get3A_19 = arith.constant 0 : index
    %get3A_20 = vector.load %arg4[%get3A_18, %get3A_19] : memref<128x10xf32, #tpu.memory_space<vmem>>, vector<128x10xf32>
    %dot_general3A_21 = arith.constant dense<0.000000e+00> : vector<64x10xf32>
    %dot_general3A_22 = tpu.matmul %max3A_17, %get3A_20, %dot_general3A_21 {dimension_numbers = #tpu.dot_dimension_numbers<[1], [0], [0], [1], [0, 0, 1, 1], [], []>, transpose_lhs_hint = false} : vector<64x128xf32>, vector<128x10xf32>, vector<64x10xf32> -> vector<64x10xf32>
    %get3A_23 = arith.constant 0 : index
    %get3A_24 = arith.constant 0 : index
    %get3A_25 = vector.load %arg5[%get3A_23, %get3A_24] : memref<1x10xf32, #tpu.memory_space<vmem>>, vector<1x10xf32>
    %add3A_26 = vector.broadcast %get3A_25 : vector<1x10xf32> to vector<64x10xf32>
    %add3A_27 = arith.addf %dot_general3A_22, %add3A_26 : vector<64x10xf32>
    %reduce_max3A = arith.constant dense<0xFF800000> : vector<64xf32>
    %reduce_max3A_28 = vector.multi_reduction <maximumf>, %add3A_27, %reduce_max3A [1] : vector<64x10xf32> to vector<64xf32>
    %broadcast_in_dim3A = vector.shape_cast %reduce_max3A_28 : vector<64xf32> to vector<64x1xf32>
    %sub3A = vector.broadcast %broadcast_in_dim3A : vector<64x1xf32> to vector<64x10xf32>
    %sub3A_29 = arith.subf %add3A_27, %sub3A : vector<64x10xf32>
    %exp3A = math.exp %sub3A_29 : vector<64x10xf32>
    %reduce_sum3A = arith.constant dense<0.000000e+00> : vector<64xf32>
    %reduce_sum3A_30 = vector.multi_reduction <add>, %exp3A, %reduce_sum3A [1] : vector<64x10xf32> to vector<64xf32>
    %broadcast_in_dim3A_31 = vector.shape_cast %reduce_sum3A_30 : vector<64xf32> to vector<64x1xf32>
    %log3A = math.log %broadcast_in_dim3A_31 : vector<64x1xf32>
    %add3A_32 = arith.addf %log3A, %broadcast_in_dim3A : vector<64x1xf32>
    %sub3A_33 = vector.broadcast %add3A_32 : vector<64x1xf32> to vector<64x10xf32>
    %sub3A_34 = arith.subf %add3A_27, %sub3A_33 : vector<64x10xf32>
    %swap3A = arith.constant 0 : index
    %swap3A_35 = arith.constant 0 : index
    %swap3A_36 = vector.load %arg6[%swap3A, %swap3A_35] : memref<64x10xf32, #tpu.memory_space<vmem>>, vector<64x10xf32>
    tpu.vector_store %arg6[%swap3A, %swap3A_35], %sub3A_34 {strides = array<i32>} : memref<64x10xf32, #tpu.memory_space<vmem>>, vector<64x10xf32>,
    return
  }
}

module attributes {stable_mosaic.version = 14 : i64} {
  func.func @body(%arg0: i32, %arg1: memref<1264x128xf32, #tpu.memory_space<vmem>>, %arg2: memref<1264x128xf32, #tpu.memory_space<vmem>>, %arg3: memref<1264x1xf32, #tpu.memory_space<vmem>>, %arg4: memref<1264x128xf32, #tpu.memory_space<vmem>>, %arg5: memref<1x1x1264xi32, #tpu.memory_space<vmem>>, %arg6: memref<128x128xf32, #tpu.memory_space<vmem>>, %arg7: memref<128x128xf32, #tpu.memory_space<vmem>>, %arg8: memref<1x128xf32, #tpu.memory_space<vmem>>, %arg9: memref<128x128xf32, #tpu.memory_space<vmem>>, %arg10: memref<128x128xf32, #tpu.memory_space<vmem>>, %arg11: memref<1x128xf32, #tpu.memory_space<vmem>>, %arg12: memref<64x128xf32, #tpu.memory_space<vmem>>, %arg13: memref<64x128xf32, #tpu.memory_space<vmem>>) attributes {dimension_semantics = [#tpu.dimension_semantics<arbitrary>], iteration_bounds = array<i64: 8>, scalar_prefetch = 0 : i64, scratch_operands = 0 : i64, tpu.core_type = #tpu.core_type<tc>, window_params = [{transform_indices = @transform_0, window_bounds = array<i64: 1264, 128>}, {transform_indices = @transform_1, window_bounds = array<i64: 1264, 128>}, {transform_indices = @transform_2, window_bounds = array<i64: 1264, 1>}, {transform_indices = @transform_3, window_bounds = array<i64: 1264, 128>}, {transform_indices = @transform_4, window_bounds = array<i64: 1, 1, 1264>}, {pipeline_mode = #tpu.pipeline_mode<synchronous>, transform_indices = @transform_5, window_bounds = array<i64: 128, 128>}, {pipeline_mode = #tpu.pipeline_mode<synchronous>, transform_indices = @transform_6, window_bounds = array<i64: 128, 128>}, {pipeline_mode = #tpu.pipeline_mode<synchronous>, transform_indices = @transform_7, window_bounds = array<i64: 1, 128>}, {pipeline_mode = #tpu.pipeline_mode<synchronous>, transform_indices = @transform_8, window_bounds = array<i64: 128, 128>}, {pipeline_mode = #tpu.pipeline_mode<synchronous>, transform_indices = @transform_9, window_bounds = array<i64: 128, 128>}, {pipeline_mode = #tpu.pipeline_mode<synchronous>, transform_indices = @transform_10, window_bounds = array<i64: 1, 128>}, {pipeline_mode = #tpu.pipeline_mode<synchronous>, transform_indices = @transform_11, window_bounds = array<i64: 64, 128>}, {pipeline_mode = #tpu.pipeline_mode<synchronous>, transform_indices = @transform_12, window_bounds = array<i64: 64, 128>}]} {
    %get3A = arith.constant 0 : index
    %get3A_0 = arith.constant 0 : index
    %get3A_1 = vector.load %arg1[%get3A, %get3A_0] : memref<1264x128xf32, #tpu.memory_space<vmem>>, vector<1264x128xf32>
    %get3A_2 = arith.constant 0 : index
    %get3A_3 = arith.constant 0 : index
    %get3A_4 = vector.load %arg2[%get3A_2, %get3A_3] : memref<1264x128xf32, #tpu.memory_space<vmem>>, vector<1264x128xf32>
    %add3A = arith.addf %get3A_1, %get3A_4 : vector<1264x128xf32>
    %get3A_5 = arith.constant 0 : index
    %get3A_6 = arith.constant 0 : index
    %get3A_7 = vector.load %arg3[%get3A_5, %get3A_6] : memref<1264x1xf32, #tpu.memory_space<vmem>>, vector<1264x1xf32>
    %div3A = vector.broadcast %get3A_7 : vector<1264x1xf32> to vector<1264x128xf32>
    %div3A_8 = arith.divf %add3A, %div3A : vector<1264x128xf32>
    %get3A_9 = arith.constant 0 : index
    %get3A_10 = arith.constant 0 : index
    %get3A_11 = vector.load %arg6[%get3A_9, %get3A_10] : memref<128x128xf32, #tpu.memory_space<vmem>>, vector<128x128xf32>
    %dot_general3A = arith.constant dense<0.000000e+00> : vector<1264x128xf32>
    %dot_general3A_12 = tpu.matmul %div3A_8, %get3A_11, %dot_general3A {dimension_numbers = #tpu.dot_dimension_numbers<[1], [0], [0], [1], [0, 0, 1, 1], [], []>, transpose_lhs_hint = false} : vector<1264x128xf32>, vector<128x128xf32>, vector<1264x128xf32> -> vector<1264x128xf32>
    %get3A_13 = arith.constant 0 : index
    %get3A_14 = arith.constant 0 : index
    %get3A_15 = vector.load %arg4[%get3A_13, %get3A_14] : memref<1264x128xf32, #tpu.memory_space<vmem>>, vector<1264x128xf32>
    %get3A_16 = arith.constant 0 : index
    %get3A_17 = arith.constant 0 : index
    %get3A_18 = vector.load %arg7[%get3A_16, %get3A_17] : memref<128x128xf32, #tpu.memory_space<vmem>>, vector<128x128xf32>
    %dot_general3A_19 = arith.constant dense<0.000000e+00> : vector<1264x128xf32>
    %dot_general3A_20 = tpu.matmul %get3A_15, %get3A_18, %dot_general3A_19 {dimension_numbers = #tpu.dot_dimension_numbers<[1], [0], [0], [1], [0, 0, 1, 1], [], []>, transpose_lhs_hint = false} : vector<1264x128xf32>, vector<128x128xf32>, vector<1264x128xf32> -> vector<1264x128xf32>
    %add3A_21 = arith.addf %dot_general3A_12, %dot_general3A_20 : vector<1264x128xf32>
    %get3A_22 = arith.constant 0 : index
    %get3A_23 = arith.constant 0 : index
    %get3A_24 = vector.load %arg8[%get3A_22, %get3A_23] : memref<1x128xf32, #tpu.memory_space<vmem>>, vector<1x128xf32>
    %add3A_25 = vector.broadcast %get3A_24 : vector<1x128xf32> to vector<1264x128xf32>
    %add3A_26 = arith.addf %add3A_21, %add3A_25 : vector<1264x128xf32>
    %max3A = arith.constant 0.000000e+00 : f32
    %max3A_27 = vector.broadcast %max3A : f32 to vector<1264x128xf32>
    %max3A_28 = arith.maximumf %add3A_26, %max3A_27 : vector<1264x128xf32>
    %get3A_29 = arith.constant 0 : index
    %get3A_30 = arith.constant 0 : index
    %get3A_31 = vector.load %arg4[%get3A_29, %get3A_30] : memref<1264x128xf32, #tpu.memory_space<vmem>>, vector<1264x128xf32>
    %get3A_32 = arith.constant 0 : index
    %get3A_33 = arith.constant 0 : index
    %get3A_34 = vector.load %arg9[%get3A_32, %get3A_33] : memref<128x128xf32, #tpu.memory_space<vmem>>, vector<128x128xf32>
    %dot_general3A_35 = arith.constant dense<0.000000e+00> : vector<1264x128xf32>
    %dot_general3A_36 = tpu.matmul %get3A_31, %get3A_34, %dot_general3A_35 {dimension_numbers = #tpu.dot_dimension_numbers<[1], [0], [0], [1], [0, 0, 1, 1], [], []>, transpose_lhs_hint = false} : vector<1264x128xf32>, vector<128x128xf32>, vector<1264x128xf32> -> vector<1264x128xf32>
    %get3A_37 = arith.constant 0 : index
    %get3A_38 = arith.constant 0 : index
    %get3A_39 = vector.load %arg10[%get3A_37, %get3A_38] : memref<128x128xf32, #tpu.memory_space<vmem>>, vector<128x128xf32>
    %dot_general3A_40 = arith.constant dense<0.000000e+00> : vector<1264x128xf32>
    %dot_general3A_41 = tpu.matmul %max3A_28, %get3A_39, %dot_general3A_40 {dimension_numbers = #tpu.dot_dimension_numbers<[1], [0], [0], [1], [0, 0, 1, 1], [], []>, transpose_lhs_hint = false} : vector<1264x128xf32>, vector<128x128xf32>, vector<1264x128xf32> -> vector<1264x128xf32>
    %add3A_42 = arith.addf %dot_general3A_36, %dot_general3A_41 : vector<1264x128xf32>
    %get3A_43 = arith.constant 0 : index
    %get3A_44 = arith.constant 0 : index
    %get3A_45 = vector.load %arg11[%get3A_43, %get3A_44] : memref<1x128xf32, #tpu.memory_space<vmem>>, vector<1x128xf32>
    %add3A_46 = vector.broadcast %get3A_45 : vector<1x128xf32> to vector<1264x128xf32>
    %add3A_47 = arith.addf %add3A_42, %add3A_46 : vector<1264x128xf32>
    %max3A_48 = arith.constant 0.000000e+00 : f32
    %max3A_49 = vector.broadcast %max3A_48 : f32 to vector<1264x128xf32>
    %max3A_50 = arith.maximumf %add3A_47, %max3A_49 : vector<1264x128xf32>
    %get3A_51 = arith.constant 0 : index
    %get3A_52 = arith.constant 0 : index
    %get3A_53 = arith.constant 0 : index
    %get3A_54 = vector.load %arg5[%get3A_51, %get3A_52, %get3A_53] : memref<1x1x1264xi32, #tpu.memory_space<vmem>>, vector<1x1x1264xi32>
    %get3A_55 = vector.shape_cast %get3A_54 : vector<1x1x1264xi32> to vector<1264xi32>
    %iota3A = tpu.iota {dimensions = array<i32: 0>} : vector<64x1264xi32>
    %broadcast_in_dim3A = vector.shape_cast %get3A_55 : vector<1264xi32> to vector<1x1264xi32>
    %eq3A = vector.broadcast %broadcast_in_dim3A : vector<1x1264xi32> to vector<64x1264xi32>
    %eq3A_56 = arith.cmpi eq, %iota3A, %eq3A : vector<64x1264xi32>
    %convert_element_type3A = arith.extui %eq3A_56 : vector<64x1264xi1> to vector<64x1264xi32>
    %convert_element_type3A_57 = arith.sitofp %convert_element_type3A : vector<64x1264xi32> to vector<64x1264xf32>
    %dot_general3A_58 = arith.constant dense<0.000000e+00> : vector<64x128xf32>
    %dot_general3A_59 = tpu.matmul %convert_element_type3A_57, %max3A_50, %dot_general3A_58 {dimension_numbers = #tpu.dot_dimension_numbers<[1], [0], [0], [1], [0, 0, 1, 1], [], []>, transpose_lhs_hint = false} : vector<64x1264xf32>, vector<1264x128xf32>, vector<64x128xf32> -> vector<64x128xf32>
    %reduce_sum3A = arith.constant dense<0.000000e+00> : vector<64xf32>
    %reduce_sum3A_60 = vector.multi_reduction <add>, %convert_element_type3A_57, %reduce_sum3A [1] : vector<64x1264xf32> to vector<64xf32>
    %broadcast_in_dim3A_61 = vector.shape_cast %reduce_sum3A_60 : vector<64xf32> to vector<64x1xf32>
    %broadcast_in_dim3A_62 = vector.shape_cast %broadcast_in_dim3A_61 : vector<64x1xf32> to vector<64x1xf32>
    %broadcast_in_dim3A_63 = vector.broadcast %broadcast_in_dim3A_62 : vector<64x1xf32> to vector<64x128xf32>
    %eq3A_64 = arith.constant 0 : i32
    %eq3A_65 = arith.cmpi eq, %arg0, %eq3A_64 : i32
    %convert_element_type3A_66 = arith.extui %eq3A_65 : i1 to i32
    %cond3A = arith.constant 0 : i32
    %cond3A_67 = arith.cmpi ne, %convert_element_type3A_66, %cond3A : i32
    scf.if %cond3A_67 {
      %swap3A = arith.constant 0 : index
      %swap3A_72 = arith.constant 0 : index
      %swap3A_73 = vector.load %arg12[%swap3A, %swap3A_72] : memref<64x128xf32, #tpu.memory_space<vmem>>, vector<64x128xf32>
      tpu.vector_store %arg12[%swap3A, %swap3A_72], %dot_general3A_59 {strides = array<i32>} : memref<64x128xf32, #tpu.memory_space<vmem>>, vector<64x128xf32>,
      %swap3A_74 = arith.constant 0 : index
      %swap3A_75 = arith.constant 0 : index
      %swap3A_76 = vector.load %arg13[%swap3A_74, %swap3A_75] : memref<64x128xf32, #tpu.memory_space<vmem>>, vector<64x128xf32>
      tpu.vector_store %arg13[%swap3A_74, %swap3A_75], %broadcast_in_dim3A_63 {strides = array<i32>} : memref<64x128xf32, #tpu.memory_space<vmem>>, vector<64x128xf32>,
    } else {
    }
    %gt3A = arith.constant 0 : i32
    %gt3A_68 = arith.cmpi sgt, %arg0, %gt3A : i32
    %convert_element_type3A_69 = arith.extui %gt3A_68 : i1 to i32
    %cond3A_70 = arith.constant 0 : i32
    %cond3A_71 = arith.cmpi ne, %convert_element_type3A_69, %cond3A_70 : i32
    scf.if %cond3A_71 {
      %get3A_72 = arith.constant 0 : index
      %get3A_73 = arith.constant 0 : index
      %get3A_74 = vector.load %arg12[%get3A_72, %get3A_73] : memref<64x128xf32, #tpu.memory_space<vmem>>, vector<64x128xf32>
      %add3A_75 = arith.addf %get3A_74, %dot_general3A_59 : vector<64x128xf32>
      %swap3A = arith.constant 0 : index
      %swap3A_76 = arith.constant 0 : index
      %swap3A_77 = vector.load %arg12[%swap3A, %swap3A_76] : memref<64x128xf32, #tpu.memory_space<vmem>>, vector<64x128xf32>
      tpu.vector_store %arg12[%swap3A, %swap3A_76], %add3A_75 {strides = array<i32>} : memref<64x128xf32, #tpu.memory_space<vmem>>, vector<64x128xf32>,
      %get3A_78 = arith.constant 0 : index
      %get3A_79 = arith.constant 0 : index
      %get3A_80 = vector.load %arg13[%get3A_78, %get3A_79] : memref<64x128xf32, #tpu.memory_space<vmem>>, vector<64x128xf32>
      %add3A_81 = arith.addf %get3A_80, %broadcast_in_dim3A_63 : vector<64x128xf32>
      %swap3A_82 = arith.constant 0 : index
      %swap3A_83 = arith.constant 0 : index
      %swap3A_84 = vector.load %arg13[%swap3A_82, %swap3A_83] : memref<64x128xf32, #tpu.memory_space<vmem>>, vector<64x128xf32>
      tpu.vector_store %arg13[%swap3A_82, %swap3A_83], %add3A_81 {strides = array<i32>} : memref<64x128xf32, #tpu.memory_space<vmem>>, vector<64x128xf32>,
    } else {
    }
    return
  }
  func.func @transform_0(%arg0: i32) -> (i32, i32) {
    %c0_i32 = arith.constant 0 : i32
    %c0_i32_0 = arith.constant 0 : i32
    return %arg0, %c0_i32 : i32, i32
  }
  func.func @transform_1(%arg0: i32) -> (i32, i32) {
    %add3A = arith.constant 8 : i32
    %add3A_0 = arith.addi %arg0, %add3A : i32
    %c0_i32 = arith.constant 0 : i32
    %c0_i32_1 = arith.constant 0 : i32
    return %add3A_0, %c0_i32 : i32, i32
  }
  func.func @transform_2(%arg0: i32) -> (i32, i32) {
    %c0_i32 = arith.constant 0 : i32
    %c0_i32_0 = arith.constant 0 : i32
    return %arg0, %c0_i32 : i32, i32
  }
  func.func @transform_3(%arg0: i32) -> (i32, i32) {
    %c0_i32 = arith.constant 0 : i32
    %c0_i32_0 = arith.constant 0 : i32
    return %arg0, %c0_i32 : i32, i32
  }
  func.func @transform_4(%arg0: i32) -> (i32, i32, i32) {
    %c0_i32 = arith.constant 0 : i32
    %c0_i32_0 = arith.constant 0 : i32
    %c0_i32_1 = arith.constant 0 : i32
    return %arg0, %c0_i32, %c0_i32_0 : i32, i32, i32
  }
  func.func @transform_5(%arg0: i32) -> (i32, i32) {
    %c0_i32 = arith.constant 0 : i32
    %c0_i32_0 = arith.constant 0 : i32
    %c0_i32_1 = arith.constant 0 : i32
    return %c0_i32, %c0_i32_0 : i32, i32
  }
  func.func @transform_6(%arg0: i32) -> (i32, i32) {
    %c0_i32 = arith.constant 0 : i32
    %c0_i32_0 = arith.constant 0 : i32
    %c0_i32_1 = arith.constant 0 : i32
    return %c0_i32, %c0_i32_0 : i32, i32
  }
  func.func @transform_7(%arg0: i32) -> (i32, i32) {
    %c0_i32 = arith.constant 0 : i32
    %c0_i32_0 = arith.constant 0 : i32
    %c0_i32_1 = arith.constant 0 : i32
    return %c0_i32, %c0_i32_0 : i32, i32
  }
  func.func @transform_8(%arg0: i32) -> (i32, i32) {
    %c0_i32 = arith.constant 0 : i32
    %c0_i32_0 = arith.constant 0 : i32
    %c0_i32_1 = arith.constant 0 : i32
    return %c0_i32, %c0_i32_0 : i32, i32
  }
  func.func @transform_9(%arg0: i32) -> (i32, i32) {
    %c0_i32 = arith.constant 0 : i32
    %c0_i32_0 = arith.constant 0 : i32
    %c0_i32_1 = arith.constant 0 : i32
    return %c0_i32, %c0_i32_0 : i32, i32
  }
  func.func @transform_10(%arg0: i32) -> (i32, i32) {
    %c0_i32 = arith.constant 0 : i32
    %c0_i32_0 = arith.constant 0 : i32
    %c0_i32_1 = arith.constant 0 : i32
    return %c0_i32, %c0_i32_0 : i32, i32
  }
  func.func @transform_11(%arg0: i32) -> (i32, i32) {
    %c0_i32 = arith.constant 0 : i32
    %c0_i32_0 = arith.constant 0 : i32
    %c0_i32_1 = arith.constant 0 : i32
    return %c0_i32, %c0_i32_0 : i32, i32
  }
  func.func @transform_12(%arg0: i32) -> (i32, i32) {
    %c0_i32 = arith.constant 0 : i32
    %c0_i32_0 = arith.constant 0 : i32
    %c0_i32_1 = arith.constant 0 : i32
    return %c0_i32, %c0_i32_0 : i32, i32
  }
}

</mosaic_0001>

<sc_bundles>
// kernel: kernel.10.cloned.1.call-start
scs
__scs_entry_jumppad:
0x0: {  	(pc) =	sbr.rel $0x88, $3  }
0x1: {  	(tag) =	ssettag $0x0;
	lr =	simm.s32 $0x1  }
0x2: {  	[smem:$0x3F92] =	sst lr;
	_ =	strace $0xD0000000  }
0x3: {  	_ = 	snop  }
0x4: {  	_ = 	snop  }
0x5: {  	_ = 	snop  }
0x6: {  	_ = 	snop  }
0x7: {  	_ = 	snop  }
__scs_overlays_trampoline_lowered:
0x8: {  	[smem:$0x3FA1] =	sst s0  }
0x9: {  	[smem:$0x3FA2] =	sst s1  }
0xa: {  	[smem:$0x3FA3] =	sst s2  }
0xb: {  	[smem:$0x3FA4] =	sst s3  }
0xc: {  	[smem:$0x3FA5] =	sst s4  }
0xd: {  	[smem:$0x3FA6] =	sst s5  }
0xe: {  	[smem:$0x3FA7] =	sst s6  }
0xf: {  	[smem:$0x3FA8] =	sst s7  }
0x10: {  	[smem:$0x3FA9] =	sst s8  }
0x11: {  	[smem:$0x3FAA] =	sst s9;
	s0 =	simm.s32 @!p0 $0x0  }
0x12: {  	s1 =	sld [smem:$0x3F90];
	s0 =	simm.s32 @p0 $0x1  }
0x13: {  	[smem:$0x3FAB] =	sst s0;
	s0 =	simm.s32 @!p1 $0x0  }
0x14: {  	s2 =	sld [smem:$0x3F8F];
	s0 =	simm.s32 @p1 $0x1  }
0x15: {  	[smem:$0x3FAC] =	sst s0;
	s0 =	simm.s32 @!p2 $0x0  }
0x16: {  	s3 =	sld [smem:$0x3FDB];
	s0 =	simm.s32 @p2 $0x1  }
0x17: {  	s4 =	simm.s32 $0x1BF5;
	[smem:$0x3FAE] =	sst s0  }
0x18: {  	s0 =	sld [smem:$0x3F91];
	_ =	swait.ge [sflag:s4], $0x0  }
0x19: {  	s7 =	sld [smem:$0x3F92]  }
0x1a: {  	s8 =	sadd.s32 $0xFFFFE003, lr  }
0x1b: {  	s9 =	sadd.s32 $0xFFFFFEF7, lr;
	s5 =	simm.s32 $0xFFFFFFFF;
	p2 =	slt.u32 s8, $0xFFFFF086  }
0x1c: {  	p1 =	slt.u32 s9, $0xF7A;
	s5 =	simm.s32 @!p2 $0x0  }
0x1d: {  	s5 =	simm.s32 @p1 $0x1;
	p0 =	seq.s32 s7, s2  }
0x1e: {  	s7 =	smul.u32 @!p0 $0xF7A, s2;
	p2 =	seq.s32 @!p0 s5, $0x0  }
0x1f: {  	s9 =	smul.u32 $0xF7A, s1;
	s8 =	simm.s32 @!p0 $0x1BF5;
	p2 =	por !p2, p0  }
0x20: {  	[sflag:s8] =	ssyncset.s32 @!p0 $0xFFFFF086;
	s6 =	sadd.s32 @!p0 s3, s7;
	s7 =	simm.s32 @!p0 $0x108  }
0x21: {  	s3 =	sadd.s32 s3, s9;
	s6 =	sadd.s32 @!p0 $0x88, s6;
	s7 =	simm.s32 @p2 $0x1082  }
0x22: {  	[simem:s7], [sflag:s8] =	dma.local @!p0 [hbm:s6], $0xF7A  }
0x23: {  	s9 =	sor.u32 $0xD0000000, s2;
	s6 =	simm.s32 $0x108;
	_ =	swait.ge @!p0 [sflag:s8], $0x0  }
0x24: {  	s3 =	sadd.s32 $0x88, s3;
	s6 =	simm.s32 @!p1 $0x1082;
	[sflag:s4] =	ssyncset.s32 $0xFFFFF086  }
0x25: {  	[simem:s6], [sflag:s4] =	dma.local [hbm:s3], $0xF7A  }
0x26: {  	[smem:$0x3F92] =	sst s1;
	(tag) =	ssettag s2;
	_ =	strace s9  }
0x27: {  	s1 =	sld [smem:$0x3FA2]  }
0x28: {  	s2 =	sld [smem:$0x3FA3]  }
0x29: {  	s4 =	sld [smem:$0x3FA5]  }
0x2a: {  	p0 =	seq.s32 s5, $0x0;
	s5 =	sld [smem:$0x3FA6]  }
0x2b: {  	s6 =	sld [smem:$0x3FA7]  }
0x2c: {  	s7 =	sld [smem:$0x3FA8]  }
0x2d: {  	s3 =	simm.s32 $0x108;
	s8 =	sld [smem:$0x3FA9]  }
0x2e: {  	s3 =	simm.s32 @!p0 $0x1082;
	s9 =	sld [smem:$0x3FAA]  }
0x2f: {  	lr =	sadd.s32 s0, s3;
	s0 =	sld [smem:$0x3FA1]  }
0x30: {  	s3 =	sld [smem:$0x3FA4]  }
0x31: {  	[smem:$0x3FAD] =	sst s10  }
0x32: {  	s10 =	sld [smem:$0x3FAB];
	_ =	sdelay $0x3  }
0x33: {  	p0 =	seq.s32 s10, $0x1;
	s10 =	sld [smem:$0x3FAD];
	_ =	sdelay $0x3  }
0x34: {  	[smem:$0x3FAD] =	sst s10  }
0x35: {  	s10 =	sld [smem:$0x3FAC];
	_ =	sdelay $0x3  }
0x36: {  	p1 =	seq.s32 s10, $0x1;
	s10 =	sld [smem:$0x3FAD];
	_ =	sdelay $0x3  }
0x37: {  	[smem:$0x3FAD] =	sst s10  }
0x38: {  	s10 =	sld [smem:$0x3FAE]  }
0x39: {  	_ = 	snop;
	(pc) =	sbr.ind lr, $3  }
0x3a: {  	_ = 	snop  }
0x3b: {  	_ = 	snop  }
0x3c: {  	p2 =	seq.s32 s10, $0x1;
	s10 =	sld [smem:$0x3FAD]  }
0x3d: {  	_ =	shalt  }
0x3e: {  	_ =	shalt  }
0x3f: {  	_ =	shalt  }
0x40: {  	_ =	shalt  }
0x41: {  	_ =	shalt  }
0x42: {  	_ =	shalt  }
0x43: {  	_ =	shalt  }
0x44: {  	_ =	shalt  }
0x45: {  	_ =	shalt  }
0x46: {  	_ =	shalt  }
0x47: {  	_ =	shalt  }
0x48: {  	_ =	shalt  }
0x49: {  	_ =	shalt  }
0x4a: {  	_ =	shalt  }
0x4b: {  	_ =	shalt  }
0x4c: {  	_ =	shalt  }
0x4d: {  	_ =	shalt  }
0x4e: {  	_ =	shalt  }
0x4f: {  	_ =	shalt  }
0x50: {  	_ =	shalt  }
0x51: {  	_ =	shalt  }
0x52: {  	_ =	shalt  }
0x53: {  	_ =	shalt  }
0x54: {  	_ =	shalt  }
0x55: {  	_ =	shalt  }
0x56: {  	_ =	shalt  }
0x57: {  	_ =	shalt  }
0x58: {  	_ =	shalt  }
0x59: {  	_ =	shalt  }
0x5a: {  	_ =	shalt  }
0x5b: {  	_ =	shalt  }
0x5c: {  	_ =	shalt  }
0x5d: {  	_ =	shalt  }
0x5e: {  	_ =	shalt  }
0x5f: {  	_ =	shalt  }
0x60: {  	_ =	shalt  }
0x61: {  	_ =	shalt  }
0x62: {  	_ =	shalt  }
0x63: {  	_ =	shalt  }
0x64: {  	_ =	shalt  }
0x65: {  	_ =	shalt  }
0x66: {  	_ =	shalt  }
0x67: {  	_ =	shalt  }
0x68: {  	_ =	shalt  }
0x69: {  	_ =	shalt  }
0x6a: {  	_ =	shalt  }
0x6b: {  	_ =	shalt  }
0x6c: {  	_ =	shalt  }
0x6d: {  	_ =	shalt  }
0x6e: {  	_ =	shalt  }
0x6f: {  	_ =	shalt  }
0x70: {  	_ =	shalt  }
0x71: {  	_ =	shalt  }
0x72: {  	_ =	shalt  }
0x73: {  	_ =	shalt  }
0x74: {  	_ =	shalt  }
0x75: {  	_ =	shalt  }
0x76: {  	_ =	shalt  }
0x77: {  	_ =	shalt  }
0x78: {  	_ =	shalt  }
0x79: {  	_ =	shalt  }
0x7a: {  	_ =	shalt  }
0x7b: {  	_ =	shalt  }
0x7c: {  	_ =	shalt  }
0x7d: {  	_ =	shalt  }
0x7e: {  	_ =	shalt  }
0x7f: {  	_ =	shalt  }
0x80: {  	_ =	shalt  }
0x81: {  	_ =	shalt  }
0x82: {  	_ =	shalt  }
0x83: {  	_ =	shalt  }
0x84: {  	_ =	shalt  }
0x85: {  	_ =	shalt  }
0x86: {  	_ =	shalt  }
0x87: {  	_ =	shalt  }
.Lfunc_end0:
.L_simem_size_0:
called_computation.1_lowered:
.L_overlay_start_0:
0x88: {  	s2 =	sld [smem:$0x3FD9]  }
0x89: {  	s3 =	sld [smem:$0x3FFE];
	_ =	sdelay $0x1  }
0x8a: {  	s1 =	srdreg.scid  }
0x8b: {  	s0 =	sand.u32 $0x1, s1  }
0x8c: {  	s17 =	sshll.u32 s0, $0xA;
	s2 =	sadd.s32 s3, s2  }
0x8d: {  	s2 =	sadd.s32 s2, s17  }
0x8e: {  	[smem:$0x3FB9] =	sst s2  }
0x8f: {  	_ = 	snop  }
0x90: {  	s2 =	sld [smem:$0x3FC8];
	(tm) =	ssettm $0x1  }
0x91: {  	s18 =	sld [smem:$0x3FFB];
	_ =	sdelay $0x3  }
0x92: {  	_ =	strace s18  }
0x93: {  	s3 =	sld [smem:$0x3FFC];
	_ =	sdelay $0x3  }
0x94: {  	_ =	strace s3  }
0x95: {  	s3 =	sld [smem:$0x3FFD];
	_ =	sdelay $0x3  }
0x96: {  	_ =	strace s3  }
0x97: {  	_ =	strace $0x8FFFFFFF  }
0x98: {  	s19 =	sld [smem:$0x3FDB];
	_ =	sdelay $0x1  }
0x99: {  	s4 =	simm.s32 $_scs_section_size  }
0x9a: {  	s5 =	simm.s32 $_size__tile_overlayer_lowered;
	s6 =	simm.s32 $_tile_overlayer_lowered  }
0x9b: {  	s22 =	simm.s32 $0x1BFF;
	s21 =	sshll.u32 s6, $0x1;
	s3 =	sadd.s32 s4, s19  }
0x9c: {  	s7 =	simm.s32 $0x0;
	s20 =	sshll.u32 s5, $0x1;
	s5 =	sadd.s32 s21, s3  }
0x9d: {  	[timem:s7], [sflag:s22] =	dma.local [hbm:s5], s20  }
0x9e: {  	_ =	swait.ge [sflag:s22], s20  }
0x9f: {  	s4 =	ssub.s32 $0x0, s20;
	[sflag:s22] =	ssyncset.done $0x0  }
0xa0: {  	[sflag:s22] =	ssyncadd.s32 s4;
	_ =	sdelay $0x1  }
0xa1: {  	s23 =	simm.s32 $0x1B8B  }
0xa2: {  	_ =	swait.ge [sflag:s23], $0x1  }
0xa3: {  	[sflag:s23] =	ssyncset.done $0x0  }
0xa4: {  	s25 =	simm.s32 $0x1B8E;
	s24 =	sld [smem:$0x3FFE];
	[sflag:s23] =	ssyncadd.s32 $0xFFFFFFFF  }
0xa5: {  	s26 =	simm.s32 $execute0_lowered;
	[smem:$0x3FD2] =	sst s25  }
0xa6: {  	s5 =	sshll.u32 s26, $0x1;
	_ =	strace $0x80000049;
	[dreg:$0x1] =	wrdreg $0xFFFFFFFF  }
0xa7: {  	s28 =	simm.s32 $_size_execute0_lowered;
	s3 =	sadd.s32 s3, s5;
	[dreg:$0x0] =	wrdreg $0x0  }
0xa8: {  	s5 =	sshll.u32 s28, $0x1;
	[dreg:$0x2] =	wrdreg s3  }
0xa9: {  	[dreg:$0x3] =	wrdreg s5  }
0xaa: {  	[dreg:$0x4] =	wrdreg $0xC0  }
0xab: {  	_ =	task [dreg:s7], $0x5FFFF  }
0xac: {  	[dreg:$0x1] =	wrdreg $0xFFFFFFFF  }
0xad: {  	[dreg:$0x0] =	wrdreg $0x60  }
0xae: {  	[dreg:$0x2] =	wrdreg s24  }
0xaf: {  	[dreg:$0x3] =	wrdreg s2  }
0xb0: {  	[dreg:$0x4] =	wrdreg $0x82000  }
0xb1: {  	[dreg:$0x5] =	wrdreg $0x9  }
0xb2: {  	_ =	task.clear_ibuf [dreg:s7], $0x6FFFF;
	_ =	strace $0x90000049  }
0xb3: {  	s29 =	simm.s32 $0x9;
	_ =	strace $0x8000004B  }
0xb4: {  	_ =	swait.ge [sflag:s29], $0x1  }
0xb5: {  	[sflag:s29] =	ssyncadd.s32 $0xFFFFFFFF  }
0xb6: {  	_ =	strace $0x9000004B  }
0xb7: {  	_ =	sfence  }
0xb8: {  	s30 =	sld [smem:$0x0];
	_ =	sdelay $0x2  }
0xb9: {  	s31 =	sshll.u32 s1, $0xD;
	s1 =	sshrl.u32 s1, $0x2  }
0xba: {  	s3 =	sand.u32 $0x4000, s31;
	s1 =	sadd.s32 s1, s30  }
0xbb: {  	s0 =	sor.u32 s3, s0;
	s1 =	sshll.u32 s1, $0x11  }
0xbc: {  	s0 =	sor.u32 s1, s0  }
0xbd: {  	s0 =	sadd.s32 $0x8F2B, s0  }
0xbe: {  	[sflag:s0] =	ssyncadd.remote.s32 $0x1  }
0xbf: {  	_ =	sfence.sel $0xFFFF  }
0xc0: {  	[dreg:$0x0] =	wrdreg $0xFFFFFFFF;
	(pc) =	sbr.abs _section_cstart, $3  }
0xc1: {  	[dreg:$0x1] =	wrdreg $0xFFFFFFFF  }
0xc2: {  	_ =	task.clear_ibuf [dreg:s7], $0x2FFFF;
	_ =	strace $0x9FFFFFFF  }
0xc3: {  	(tm) =	ssettm $0x7FFFFFFF  }
tec
execute0_lowered:
.L_overlay_start_1:
0x0: {  	(tag) =	ssettag $0x1  }
0x1: {  	s6 =	rddreg [dreg:$0x0]  }
0x2: {  	s2 =	rddreg [dreg:$0x1]  }
0x3: {  	s3 =	rddreg [dreg:$0x2]  }
0x4: {  	s0 =	rddreg [dreg:$0x3];
	s1 =	stileid.u32  }
0x5: {  	s5 =	srdreg.scid;
	s4 =	simm.s32 $0x0;
	s16 =	simm.s32 $0x4E  }
0x6: {  	s19 =	simm.s32 $0x100;
	s7 =	smul.u32 $0x2780, s1;
	s9 =	sand.u32 $0x1, s5  }
0x7: {  	[smem:$0x7FF] =	sst s4;
	s5 =	sadd.s32 $0x2B200, s6;
	s10 =	smul.u32 $0x4F000, s1  }
0x8: {  	s23 =	sshll.u32 s1, $0x1;
	s25 =	sshll.u32 s1, $0x6;
	s17 =	smul.u32 $0x9C, s1  }
0x9: {  	p0 =	slt.u32 s1, $0x2;
	s8 =	smul.u32 $0x27800, s9;
	_ =	strace $0x8000004A  }
0xa: {  	s20 =	ssub.s32 $0x2, s9;
	s24 =	sor.u32 s9, s23;
	s16 =	simm.s32 @!p0 $0x4D  }
0xb: {  	s28 =	smul.u32 $0x4E, s9;
	s9 =	sor.u32 $0x1C03, s25;
	s23 =	simm.s32 $0x180  }
0xc: {  	s11 =	sadd.s32 s7, s6;
	s21 =	sshrl.u32 s20, $0x1;
	s22 =	sshrl.u32 s10, $0x2  }
0xd: {  	s26 =	smul.u32 $0x4E, s24;
	s14 =	smin.u32 s24, $0x4;
	s7 =	sadd.s32 s7, s8  }
0xe: {  	s13 =	ssub.s32 s20, s21;
	s15 =	sadd.s32 s22, s3;
	s20 =	simm.s32 $0x4200  }
0xf: {  	s21 =	simm.s32 $0x1;
	s22 =	simm.s32 $0x2;
	s12 =	sadd.s32 s7, s6  }
0x10: {  	s6 =	sadd.s32 $0x3A00, s11;
	s7 =	simm.s32 $0x4F;
	s8 =	sadd.s32 s14, s26  }
0x11: {  	s11 =	sadd.s32 s28, s17;
	s13 =	smax.u32 s13, $0x1;
	s15 =	sshrl.u32 s15, $0x3  }
0x12: {  	s17 =	simm.s32 $0x80;
	s7 =	simm.s32 @!p0 $0x4E;
	s29 =	sadd.s32 s16, s8  }
0x13: {  	s30 =	sshll.u32 s8, $0x5;
	s14 =	sadd.s32 s14, s11;
	s12 =	sadd.s32 $0x52A00, s12  }
0x14: {  	s16 =	simm.s32 $0x3;
	s18 =	sshll.u32 s29, $0x5;
	s10 =	sadd.s32 s2, s30  }
0x15: {  	s24 =	sand.u32 $0x1, s7;
	s14 =	sshll.u32 s14, $0x5;
	s31 =	sand.u32 $0x1FFFFFE0, s18  }
0x16: {  	s14 =	sadd.s32 s2, s14;
	s18 =	simm.s32 $0x200;
	p0 =	seq.s32 s24, $0x0  }
0x17: {  	s24 =	simm.s32 $0x0;
	s11 =	sadd.s32 s2, s31;
	s14 =	sadd.s32 $0x20, s14  }
.LBB2_1:
0x18: {  	[spmem:s15], [sflag:s9] =	dma.local [hbm:s6], $0x2780  }
0x19: {  	_ =	swait.ge [sflag:s16], $0x2780  }
0x1a: {  	[sflag:s16] =	ssyncset.done $0x0  }
0x1b: {  	[sflag:s16] =	ssyncadd.s32 $0xFFFFD880  }
0x1c: {  	[bflag:$0x0] =	sbarrier.arrive $0xFFFF  }
0x1d: {  	[tilespmem:s4], [sflag:$0x3] =	stream.linear.gather [hbm4b:s10+s4], $0x100, $0x38;
	[tilespmem:$0x1BE00] =	vst v63  }
0x1e: {  	_ =	swait.ge [sflag:s16], $0x100  }
0x1f: {  	[sflag:s16] =	ssyncset.done $0x0  }
0x20: {  	[sflag:s16] =	ssyncadd.s32 $0xFFFFFF00  }
0x21: {  	[tilespmem:s18], [sflag:$0x1] =	stream.indirect.gather [hbm4b:s5+s17], $0x80, s4, s17, $0xb8;
	[tilespmem:$0x1BE00] =	vst v63  }
0x22: {  	_ = 	snop  }
0x23: {  	[tilespmem:s19], [sflag:$0x3] =	stream.linear.gather [hbm4b:s14+s4], $0x100, $0x38;
	[tilespmem:$0x1BE00] =	vst v63  }
0x24: {  	_ =	swait.ge [sflag:s16], $0x100  }
0x25: {  	[sflag:s16] =	ssyncset.done $0x0  }
0x26: {  	[sflag:s16] =	ssyncadd.s32 $0xFFFFFF00  }
0x27: {  	[tilespmem:s20], [sflag:$0x2] =	stream.indirect.gather [hbm4b:s5+s17], $0x80, s19, s17, $0xb8;
	[tilespmem:$0x1BE00] =	vst v63  }
0x28: {  	p1 =	seq.s32 s7, $0x2;
	s25 =	simm.s32 $0x2;
	_ =	swait.ge [sflag:s21], $0x4000  }
0x29: {  	s25 =	simm.s32 @p1 $0x0;
	[sflag:s21] =	ssyncset.done $0x0  }
0x2a: {  	s25 =	sadd.s32 s8, s25;
	[sflag:s21] =	ssyncadd.s32 $0xFFFFC000  }
0x2b: {  	[spmem:s3] =	stream.indirect.scatter.add.f32 [tilespmem:s18], [sflag:$0x3], $0x80, s17, s17, $0xb8;
	[tilespmem:$0x1BE00] =	vst v63  }
0x2c: {  	s25 =	sshll.u32 s25, $0x5;
	_ =	swait.ge [sflag:s16], $0x4000  }
0x2d: {  	s25 =	sand.u32 $0x1FFFFFE0, s25;
	[sflag:s16] =	ssyncset.done $0x0  }
0x2e: {  	s25 =	sadd.s32 s2, s25;
	[sflag:s16] =	ssyncadd.s32 $0xFFFFC000  }
0x2f: {  	[tilespmem:s4], [sflag:$0x3] =	stream.linear.gather [hbm4b:s25+s4], $0x100, $0x38;
	[tilespmem:$0x1BE00] =	vst v63  }
0x30: {  	_ =	swait.ge [sflag:s16], $0x100  }
0x31: {  	[sflag:s16] =	ssyncset.done $0x0  }
0x32: {  	[sflag:s16] =	ssyncadd.s32 $0xFFFFFF00  }
0x33: {  	[tilespmem:s18], [sflag:$0x1] =	stream.indirect.gather [hbm4b:s5+s17], $0x80, s4, s17, $0xb8;
	[tilespmem:$0x1BE00] =	vst v63  }
0x34: {  	_ =	swait.ge [sflag:s22], $0x4000  }
0x35: {  	[sflag:s22] =	ssyncset.done $0x0  }
0x36: {  	[sflag:s22] =	ssyncadd.s32 $0xFFFFC000  }
0x37: {  	[spmem:s3] =	stream.indirect.scatter.add.f32 [tilespmem:s20], [sflag:$0x3], $0x80, s23, s17, $0xb8;
	[tilespmem:$0x1BE00] =	vst v63  }
0x38: {  	s26 =	smov.u32 s14;
	s25 =	simm.s32 $0x4;
	_ =	swait.ge [sflag:s16], $0x4000  }
.LBB2_2:
0x39: {  	p1 =	sne.s32 s25, $0x4E;
	[sflag:s16] =	ssyncset.done $0x0;
	s26 =	sadd.s32 $0x40, s26  }
0x3a: {  	s28 =	smov.u32 s25;
	s25 =	sadd.s32 $0x2, s25;
	[sflag:s16] =	ssyncadd.s32 $0xFFFFC000  }
0x3b: {  	[tilespmem:s19], [sflag:$0x3] =	stream.linear.gather [hbm4b:s26+s4], $0x100, $0x38;
	[tilespmem:$0x1BE00] =	vst v63  }
0x3c: {  	_ =	swait.ge [sflag:s16], $0x100  }
0x3d: {  	[sflag:s16] =	ssyncset.done $0x0  }
0x3e: {  	[sflag:s16] =	ssyncadd.s32 $0xFFFFFF00  }
0x3f: {  	[tilespmem:s20], [sflag:$0x2] =	stream.indirect.gather [hbm4b:s5+s17], $0x80, s19, s17, $0xb8;
	[tilespmem:$0x1BE00] =	vst v63  }
0x40: {  	p2 =	seq.s32 s7, s28;
	_ =	swait.ge [sflag:s21], $0x4000  }
0x41: {  	s28 =	simm.s32 @p2 $0x0;
	[sflag:s21] =	ssyncset.done $0x0  }
0x42: {  	s28 =	sadd.s32 s8, s28;
	[sflag:s21] =	ssyncadd.s32 $0xFFFFC000  }
0x43: {  	[spmem:s3] =	stream.indirect.scatter.add.f32 [tilespmem:s18], [sflag:$0x3], $0x80, s17, s17, $0xb8;
	[tilespmem:$0x1BE00] =	vst v63  }
0x44: {  	s28 =	sshll.u32 s28, $0x5;
	_ =	swait.ge [sflag:s16], $0x4000  }
0x45: {  	s28 =	sand.u32 $0x1FFFFFE0, s28;
	[sflag:s16] =	ssyncset.done $0x0  }
0x46: {  	s28 =	sadd.s32 s2, s28;
	[sflag:s16] =	ssyncadd.s32 $0xFFFFC000  }
0x47: {  	[tilespmem:s4], [sflag:$0x3] =	stream.linear.gather [hbm4b:s28+s4], $0x100, $0x38;
	[tilespmem:$0x1BE00] =	vst v63  }
0x48: {  	_ =	swait.ge [sflag:s16], $0x100  }
0x49: {  	[sflag:s16] =	ssyncset.done $0x0  }
0x4a: {  	[sflag:s16] =	ssyncadd.s32 $0xFFFFFF00  }
0x4b: {  	[tilespmem:s18], [sflag:$0x1] =	stream.indirect.gather [hbm4b:s5+s17], $0x80, s4, s17, $0xb8;
	[tilespmem:$0x1BE00] =	vst v63  }
.Ltmp0:
0x4c: {  	_ =	swait.ge [sflag:s22], $0x4000;
	(pc) =	sbr.rel @p1 .LBB2_2-.Ltmp0, $4  }
0x4d: {  	[sflag:s22] =	ssyncset.done $0x0  }
0x4e: {  	[sflag:s22] =	ssyncadd.s32 $0xFFFFC000  }
0x4f: {  	[spmem:s3] =	stream.indirect.scatter.add.f32 [tilespmem:s20], [sflag:$0x3], $0x80, s23, s17, $0xb8;
	[tilespmem:$0x1BE00] =	vst v63  }
0x50: {  	_ =	swait.ge [sflag:s16], $0x4000  }
0x51: {  	[sflag:s16] =	ssyncset.done $0x0  }
0x52: {  	[sflag:s16] =	ssyncadd.s32 $0xFFFFC000  }
0x53: {  	_ =	swait.ge [sflag:s21], $0x4000  }
0x54: {  	[sflag:s21] =	ssyncset.done $0x0  }
0x55: {  	s25 =	simm.s32 @!p0 $0x0;
	s26 =	simm.s32 @!p0 $0x3;
	[sflag:s21] =	ssyncadd.s32 $0xFFFFC000  }
0x56: {  	[tilespmem:s25], [sflag:$0x3] =	stream.linear.gather @!p0 [hbm4b:s11+s25], $0x100, $0x38;
	[tilespmem:$0x1BE00] =	vst v63  }
0x57: {  	_ =	swait.ge @!p0 [sflag:s26], $0x100  }
0x58: {  	[sflag:s26] =	ssyncset.done @!p0 $0x0  }
0x59: {  	s28 =	simm.s32 @!p0 $0x80;
	s29 =	simm.s32 @!p0 $0x200;
	[sflag:s26] =	ssyncadd.s32 @!p0 $0xFFFFFF00  }
0x5a: {  	[tilespmem:s29], [sflag:$0x1] =	stream.indirect.gather @!p0 [hbm4b:s5+s28], $0x80, s25, s28, $0xb8;
	[tilespmem:$0x1BE00] =	vst v63  }
0x5b: {  	s25 =	simm.s32 @!p0 $0x1  }
0x5c: {  	_ =	swait.ge @!p0 [sflag:s25], $0x4000  }
0x5d: {  	[sflag:s25] =	ssyncset.done @!p0 $0x0  }
0x5e: {  	[sflag:s25] =	ssyncadd.s32 @!p0 $0xFFFFC000  }
0x5f: {  	[spmem:s3] =	stream.indirect.scatter.add.f32 @!p0 [tilespmem:s29], [sflag:$0x3], $0x80, s28, s28, $0xb8;
	[tilespmem:$0x1BE00] =	vst v63  }
0x60: {  	_ =	swait.ge @!p0 [sflag:s26], $0x4000  }
0x61: {  	s24 =	sadd.s32 $0x1, s24;
	[sflag:s26] =	ssyncset.done @!p0 $0x0  }
0x62: {  	p1 =	sne.s32 s24, s13;
	[sflag:s26] =	ssyncadd.s32 @!p0 $0xFFFFC000  }
.Ltmp1:
0x63: {  	[bflag:$0x0] =	sbarrier.arrive $0xFFFF;
	(pc) =	sbr.rel @p1 .LBB2_1-.Ltmp1, $4  }
0x64: {  	[hbm:s12], [sflag:s9] =	dma.local [spmem:s15], $0x2780  }
0x65: {  	_ =	swait.ge [sflag:s16], $0x2780  }
0x66: {  	[sflag:s16] =	ssyncset.done $0x0  }
0x67: {  	[sflag:s16] =	ssyncadd.s32 $0xFFFFD880  }
0x68: {  	_ =	sfence.sel $0x180000  }
0x69: {  	[bflag:$0x0] =	sbarrier.arrive $0xFFFF  }
0x6a: {  	p0 =	sne.s32 s1, $0x0;
	_ =	strace $0x9000004A  }
0x6b: {  	s0 =	sadd.s32 @!p0 $0x100000, s0;
	[bflag:$0x2] =	sbarrier.arrive $0xFFFF  }
0x6c: {  	[sflag:s0] =	ssyncadd.tile.s32 @!p0 $0x1;
	_ =	shalt  }
.Lfunc_end2:
_tile_overlayer_lowered:
.L_overlay_start_2:
0x6d: {  	(tag) =	ssettag $0x2  }
0x6e: {  	s0 =	rddreg [dreg:$0x0];
	s2 =	stileid.u32  }
0x6f: {  	s1 =	rddreg [dreg:$0x1];
	p0 =	sne.s32 s2, $0x0  }
0x70: {  	s3 =	rddreg [dreg:$0x2];
	[bflag:$0x3] =	sbarrier.arrive $0xFFFF;
	s2 =	simm.s32 @!p0 $0x1C03  }
0x71: {  	[timem:s3], [sflag:s2] =	dma.local @!p0 [hbm:s0], s1  }
0x72: {  	s0 =	simm.s32 @!p0 $0x3  }
0x73: {  	_ =	swait.ge @!p0 [sflag:s0], s1  }
0x74: {  	s1 =	ssub.s32 @!p0 $0x0, s1;
	[sflag:s0] =	ssyncset.done @!p0 $0x0  }
0x75: {  	[sflag:s0] =	ssyncadd.s32 @!p0 s1  }
0x76: {  	[bflag:$0x3] =	sbarrier.arrive $0xFFFF  }
0x77: {  	_ =	shalt  }

// kernel: kernel.7.cloned.1.call-start
scs
__scs_entry_jumppad:
0x0: {  	(pc) =	sbr.rel $0x88, $3  }
0x1: {  	(tag) =	ssettag $0x0;
	lr =	simm.s32 $0x1  }
0x2: {  	[smem:$0x3F92] =	sst lr;
	_ =	strace $0xD0000000  }
0x3: {  	_ = 	snop  }
0x4: {  	_ = 	snop  }
0x5: {  	_ = 	snop  }
0x6: {  	_ = 	snop  }
0x7: {  	_ = 	snop  }
__scs_overlays_trampoline_lowered:
0x8: {  	[smem:$0x3FA1] =	sst s0  }
0x9: {  	[smem:$0x3FA2] =	sst s1  }
0xa: {  	[smem:$0x3FA3] =	sst s2  }
0xb: {  	[smem:$0x3FA4] =	sst s3  }
0xc: {  	[smem:$0x3FA5] =	sst s4  }
0xd: {  	[smem:$0x3FA6] =	sst s5  }
0xe: {  	[smem:$0x3FA7] =	sst s6  }
0xf: {  	[smem:$0x3FA8] =	sst s7  }
0x10: {  	[smem:$0x3FA9] =	sst s8  }
0x11: {  	[smem:$0x3FAA] =	sst s9;
	s0 =	simm.s32 @!p0 $0x0  }
0x12: {  	s1 =	sld [smem:$0x3F90];
	s0 =	simm.s32 @p0 $0x1  }
0x13: {  	[smem:$0x3FAB] =	sst s0;
	s0 =	simm.s32 @!p1 $0x0  }
0x14: {  	s2 =	sld [smem:$0x3F8F];
	s0 =	simm.s32 @p1 $0x1  }
0x15: {  	[smem:$0x3FAC] =	sst s0;
	s0 =	simm.s32 @!p2 $0x0  }
0x16: {  	s3 =	sld [smem:$0x3FDB];
	s0 =	simm.s32 @p2 $0x1  }
0x17: {  	s4 =	simm.s32 $0x1BF5;
	[smem:$0x3FAE] =	sst s0  }
0x18: {  	s0 =	sld [smem:$0x3F91];
	_ =	swait.ge [sflag:s4], $0x0  }
0x19: {  	s7 =	sld [smem:$0x3F92]  }
0x1a: {  	s8 =	sadd.s32 $0xFFFFE003, lr  }
0x1b: {  	s9 =	sadd.s32 $0xFFFFFEF7, lr;
	s5 =	simm.s32 $0xFFFFFFFF;
	p2 =	slt.u32 s8, $0xFFFFF086  }
0x1c: {  	p1 =	slt.u32 s9, $0xF7A;
	s5 =	simm.s32 @!p2 $0x0  }
0x1d: {  	s5 =	simm.s32 @p1 $0x1;
	p0 =	seq.s32 s7, s2  }
0x1e: {  	s7 =	smul.u32 @!p0 $0xF7A, s2;
	p2 =	seq.s32 @!p0 s5, $0x0  }
0x1f: {  	s9 =	smul.u32 $0xF7A, s1;
	s8 =	simm.s32 @!p0 $0x1BF5;
	p2 =	por !p2, p0  }
0x20: {  	[sflag:s8] =	ssyncset.s32 @!p0 $0xFFFFF086;
	s6 =	sadd.s32 @!p0 s3, s7;
	s7 =	simm.s32 @!p0 $0x108  }
0x21: {  	s3 =	sadd.s32 s3, s9;
	s6 =	sadd.s32 @!p0 $0x88, s6;
	s7 =	simm.s32 @p2 $0x1082  }
0x22: {  	[simem:s7], [sflag:s8] =	dma.local @!p0 [hbm:s6], $0xF7A  }
0x23: {  	s9 =	sor.u32 $0xD0000000, s2;
	s6 =	simm.s32 $0x108;
	_ =	swait.ge @!p0 [sflag:s8], $0x0  }
0x24: {  	s3 =	sadd.s32 $0x88, s3;
	s6 =	simm.s32 @!p1 $0x1082;
	[sflag:s4] =	ssyncset.s32 $0xFFFFF086  }
0x25: {  	[simem:s6], [sflag:s4] =	dma.local [hbm:s3], $0xF7A  }
0x26: {  	[smem:$0x3F92] =	sst s1;
	(tag) =	ssettag s2;
	_ =	strace s9  }
0x27: {  	s1 =	sld [smem:$0x3FA2]  }
0x28: {  	s2 =	sld [smem:$0x3FA3]  }
0x29: {  	s4 =	sld [smem:$0x3FA5]  }
0x2a: {  	p0 =	seq.s32 s5, $0x0;
	s5 =	sld [smem:$0x3FA6]  }
0x2b: {  	s6 =	sld [smem:$0x3FA7]  }
0x2c: {  	s7 =	sld [smem:$0x3FA8]  }
0x2d: {  	s3 =	simm.s32 $0x108;
	s8 =	sld [smem:$0x3FA9]  }
0x2e: {  	s3 =	simm.s32 @!p0 $0x1082;
	s9 =	sld [smem:$0x3FAA]  }
0x2f: {  	lr =	sadd.s32 s0, s3;
	s0 =	sld [smem:$0x3FA1]  }
0x30: {  	s3 =	sld [smem:$0x3FA4]  }
0x31: {  	[smem:$0x3FAD] =	sst s10  }
0x32: {  	s10 =	sld [smem:$0x3FAB];
	_ =	sdelay $0x3  }
0x33: {  	p0 =	seq.s32 s10, $0x1;
	s10 =	sld [smem:$0x3FAD];
	_ =	sdelay $0x3  }
0x34: {  	[smem:$0x3FAD] =	sst s10  }
0x35: {  	s10 =	sld [smem:$0x3FAC];
	_ =	sdelay $0x3  }
0x36: {  	p1 =	seq.s32 s10, $0x1;
	s10 =	sld [smem:$0x3FAD];
	_ =	sdelay $0x3  }
0x37: {  	[smem:$0x3FAD] =	sst s10  }
0x38: {  	s10 =	sld [smem:$0x3FAE]  }
0x39: {  	_ = 	snop;
	(pc) =	sbr.ind lr, $3  }
0x3a: {  	_ = 	snop  }
0x3b: {  	_ = 	snop  }
0x3c: {  	p2 =	seq.s32 s10, $0x1;
	s10 =	sld [smem:$0x3FAD]  }
0x3d: {  	_ =	shalt  }
0x3e: {  	_ =	shalt  }
0x3f: {  	_ =	shalt  }
0x40: {  	_ =	shalt  }
0x41: {  	_ =	shalt  }
0x42: {  	_ =	shalt  }
0x43: {  	_ =	shalt  }
0x44: {  	_ =	shalt  }
0x45: {  	_ =	shalt  }
0x46: {  	_ =	shalt  }
0x47: {  	_ =	shalt  }
0x48: {  	_ =	shalt  }
0x49: {  	_ =	shalt  }
0x4a: {  	_ =	shalt  }
0x4b: {  	_ =	shalt  }
0x4c: {  	_ =	shalt  }
0x4d: {  	_ =	shalt  }
0x4e: {  	_ =	shalt  }
0x4f: {  	_ =	shalt  }
0x50: {  	_ =	shalt  }
0x51: {  	_ =	shalt  }
0x52: {  	_ =	shalt  }
0x53: {  	_ =	shalt  }
0x54: {  	_ =	shalt  }
0x55: {  	_ =	shalt  }
0x56: {  	_ =	shalt  }
0x57: {  	_ =	shalt  }
0x58: {  	_ =	shalt  }
0x59: {  	_ =	shalt  }
0x5a: {  	_ =	shalt  }
0x5b: {  	_ =	shalt  }
0x5c: {  	_ =	shalt  }
0x5d: {  	_ =	shalt  }
0x5e: {  	_ =	shalt  }
0x5f: {  	_ =	shalt  }
0x60: {  	_ =	shalt  }
0x61: {  	_ =	shalt  }
0x62: {  	_ =	shalt  }
0x63: {  	_ =	shalt  }
0x64: {  	_ =	shalt  }
0x65: {  	_ =	shalt  }
0x66: {  	_ =	shalt  }
0x67: {  	_ =	shalt  }
0x68: {  	_ =	shalt  }
0x69: {  	_ =	shalt  }
0x6a: {  	_ =	shalt  }
0x6b: {  	_ =	shalt  }
0x6c: {  	_ =	shalt  }
0x6d: {  	_ =	shalt  }
0x6e: {  	_ =	shalt  }
0x6f: {  	_ =	shalt  }
0x70: {  	_ =	shalt  }
0x71: {  	_ =	shalt  }
0x72: {  	_ =	shalt  }
0x73: {  	_ =	shalt  }
0x74: {  	_ =	shalt  }
0x75: {  	_ =	shalt  }
0x76: {  	_ =	shalt  }
0x77: {  	_ =	shalt  }
0x78: {  	_ =	shalt  }
0x79: {  	_ =	shalt  }
0x7a: {  	_ =	shalt  }
0x7b: {  	_ =	shalt  }
0x7c: {  	_ =	shalt  }
0x7d: {  	_ =	shalt  }
0x7e: {  	_ =	shalt  }
0x7f: {  	_ =	shalt  }
0x80: {  	_ =	shalt  }
0x81: {  	_ =	shalt  }
0x82: {  	_ =	shalt  }
0x83: {  	_ =	shalt  }
0x84: {  	_ =	shalt  }
0x85: {  	_ =	shalt  }
0x86: {  	_ =	shalt  }
0x87: {  	_ =	shalt  }
.Lfunc_end0:
.L_simem_size_0:
called_computation_lowered:
.L_overlay_start_0:
0x88: {  	s2 =	sld [smem:$0x3FD9]  }
0x89: {  	s3 =	sld [smem:$0x3FFE];
	_ =	sdelay $0x1  }
0x8a: {  	s1 =	srdreg.scid  }
0x8b: {  	s0 =	sand.u32 $0x1, s1  }
0x8c: {  	s17 =	sshll.u32 s0, $0xA;
	s2 =	sadd.s32 s3, s2  }
0x8d: {  	s2 =	sadd.s32 s2, s17  }
0x8e: {  	[smem:$0x3FB9] =	sst s2  }
0x8f: {  	_ = 	snop  }
0x90: {  	s2 =	sld [smem:$0x3FC9]  }
0x91: {  	s18 =	sld [smem:$0x3FC8];
	(tm) =	ssettm $0x1  }
0x92: {  	s4 =	sld [smem:$0x3FFB];
	_ =	sdelay $0x3  }
0x93: {  	_ =	strace s4  }
0x94: {  	s4 =	sld [smem:$0x3FFC];
	_ =	sdelay $0x3  }
0x95: {  	_ =	strace s4  }
0x96: {  	s4 =	sld [smem:$0x3FFD];
	_ =	sdelay $0x3  }
0x97: {  	_ =	strace s4  }
0x98: {  	_ =	strace $0x8FFFFFFF  }
0x99: {  	s19 =	sld [smem:$0x3FDB];
	_ =	sdelay $0x1  }
0x9a: {  	s5 =	simm.s32 $_scs_section_size  }
0x9b: {  	s6 =	simm.s32 $_size__tile_overlayer_lowered;
	s7 =	simm.s32 $_tile_overlayer_lowered  }
0x9c: {  	s22 =	simm.s32 $0x1BFF;
	s21 =	sshll.u32 s7, $0x1;
	s4 =	sadd.s32 s5, s19  }
0x9d: {  	s8 =	simm.s32 $0x0;
	s20 =	sshll.u32 s6, $0x1;
	s6 =	sadd.s32 s21, s4  }
0x9e: {  	[timem:s8], [sflag:s22] =	dma.local [hbm:s6], s20  }
0x9f: {  	_ =	swait.ge [sflag:s22], s20  }
0xa0: {  	s5 =	ssub.s32 $0x0, s20;
	[sflag:s22] =	ssyncset.done $0x0  }
0xa1: {  	[sflag:s22] =	ssyncadd.s32 s5;
	_ =	sdelay $0x1  }
0xa2: {  	s23 =	simm.s32 $0x1B8B  }
0xa3: {  	_ =	swait.ge [sflag:s23], $0x1  }
0xa4: {  	[sflag:s23] =	ssyncset.done $0x0  }
0xa5: {  	s25 =	simm.s32 $0x1B8E;
	s24 =	sld [smem:$0x3FFE];
	[sflag:s23] =	ssyncadd.s32 $0xFFFFFFFF  }
0xa6: {  	s26 =	simm.s32 $execute0_lowered;
	[smem:$0x3FD2] =	sst s25  }
0xa7: {  	s6 =	sshll.u32 s26, $0x1;
	_ =	strace $0x80000046;
	[dreg:$0x1] =	wrdreg $0xFFFFFFFF  }
0xa8: {  	s28 =	simm.s32 $_size_execute0_lowered;
	s4 =	sadd.s32 s4, s6;
	[dreg:$0x0] =	wrdreg $0x0  }
0xa9: {  	s6 =	sshll.u32 s28, $0x1;
	[dreg:$0x2] =	wrdreg s4  }
0xaa: {  	[dreg:$0x3] =	wrdreg s6  }
0xab: {  	[dreg:$0x4] =	wrdreg $0xC0  }
0xac: {  	_ =	task [dreg:s8], $0x5FFFF  }
0xad: {  	[dreg:$0x1] =	wrdreg $0xFFFFFFFF  }
0xae: {  	[dreg:$0x0] =	wrdreg $0x60  }
0xaf: {  	[dreg:$0x2] =	wrdreg s2  }
0xb0: {  	[dreg:$0x3] =	wrdreg s18  }
0xb1: {  	[dreg:$0x4] =	wrdreg s24  }
0xb2: {  	[dreg:$0x5] =	wrdreg $0x82000  }
0xb3: {  	[dreg:$0x6] =	wrdreg $0x1E6800  }
0xb4: {  	[dreg:$0x7] =	wrdreg $0x9  }
0xb5: {  	_ =	task.clear_ibuf [dreg:s8], $0x8FFFF;
	_ =	strace $0x90000046  }
0xb6: {  	s29 =	simm.s32 $0x9;
	_ =	strace $0x80000048  }
0xb7: {  	_ =	swait.ge [sflag:s29], $0x1  }
0xb8: {  	[sflag:s29] =	ssyncadd.s32 $0xFFFFFFFF  }
0xb9: {  	_ =	strace $0x90000048  }
0xba: {  	_ =	sfence  }
0xbb: {  	s30 =	sld [smem:$0x0];
	_ =	sdelay $0x2  }
0xbc: {  	s31 =	sshll.u32 s1, $0xD;
	s1 =	sshrl.u32 s1, $0x2  }
0xbd: {  	s3 =	sand.u32 $0x4000, s31;
	s1 =	sadd.s32 s1, s30  }
0xbe: {  	s0 =	sor.u32 s3, s0;
	s1 =	sshll.u32 s1, $0x11  }
0xbf: {  	s0 =	sor.u32 s1, s0  }
0xc0: {  	s0 =	sadd.s32 $0x8F2B, s0  }
0xc1: {  	[sflag:s0] =	ssyncadd.remote.s32 $0x1  }
0xc2: {  	_ =	sfence.sel $0xFFFF  }
0xc3: {  	[dreg:$0x0] =	wrdreg $0xFFFFFFFF;
	(pc) =	sbr.abs _section_cstart, $3  }
0xc4: {  	[dreg:$0x1] =	wrdreg $0xFFFFFFFF  }
0xc5: {  	_ =	task.clear_ibuf [dreg:s8], $0x2FFFF;
	_ =	strace $0x9FFFFFFF  }
0xc6: {  	(tm) =	ssettm $0x7FFFFFFF  }
0xc7: {  	_ =	shalt  }
tec
execute0_lowered:
.L_overlay_start_1:
0x0: {  	(tag) =	ssettag $0x1  }
0x1: {  	s1 =	rddreg [dreg:$0x0]  }
0x2: {  	s2 =	rddreg [dreg:$0x1]  }
0x3: {  	s0 =	rddreg [dreg:$0x2]  }
0x4: {  	s3 =	rddreg [dreg:$0x3]  }
0x5: {  	s20 =	rddreg [dreg:$0x4]  }
0x6: {  	s4 =	srdreg.scid;
	s16 =	stileid.u32;
	s5 =	simm.s32 $0x0  }
0x7: {  	s14 =	simm.s32 $0x4E;
	s28 =	simm.s32 $0x180;
	s7 =	smul.u32 $0x2780, s16  }
0x8: {  	s31 =	simm.s32 $0x0;
	s4 =	sand.u32 $0x1, s4;
	s10 =	smul.u32 $0x4F000, s16  }
0x9: {  	[smem:$0x7FF] =	sst s5;
	s6 =	sadd.s32 $0x3A00, s0;
	s18 =	smul.u32 $0x9C, s16  }
0xa: {  	s11 =	sshll.u32 s16, $0x1;
	s25 =	sshll.u32 s16, $0x6;
	s8 =	smul.u32 $0x27800, s4  }
0xb: {  	p0 =	slt.u32 s16, $0x2;
	_ =	strace $0x80000047;
	s9 =	smul.u32 $0x500, s4  }
0xc: {  	s21 =	ssub.s32 $0x2, s4;
	s23 =	sor.u32 s4, s11;
	s14 =	simm.s32 @!p0 $0x4D  }
0xd: {  	s4 =	smul.u32 $0x4E, s4;
	s22 =	sshrl.u32 s21, $0x1;
	s24 =	sshrl.u32 s10, $0x2  }
0xe: {  	s11 =	smul.u32 $0x4E, s23;
	s12 =	smin.u32 s23, $0x4;
	s10 =	sor.u32 $0x1C03, s25  }
0xf: {  	s23 =	simm.s32 $0x100;
	s8 =	sadd.s32 s7, s8;
	s15 =	ssub.s32 s21, s22  }
0x10: {  	s17 =	sadd.s32 s24, s3;
	s7 =	sadd.s32 s6, s7;
	s4 =	sadd.s32 s4, s18  }
0x11: {  	s18 =	simm.s32 $0x3;
	s21 =	simm.s32 $0x80;
	s22 =	simm.s32 $0x200  }
0x12: {  	s24 =	simm.s32 $0x4200;
	s13 =	sadd.s32 s8, s0;
	s0 =	sadd.s32 s9, s0  }
0x13: {  	s8 =	simm.s32 $0x4F;
	s9 =	sadd.s32 s12, s11;
	s4 =	sadd.s32 s12, s4  }
0x14: {  	s15 =	smax.u32 s15, $0x1;
	s17 =	sshrl.u32 s17, $0x3;
	s8 =	simm.s32 @!p0 $0x4E  }
0x15: {  	s11 =	sadd.s32 s14, s9;
	s26 =	sshll.u32 s9, $0x5;
	s4 =	sshll.u32 s4, $0x5  }
0x16: {  	s13 =	sadd.s32 $0x2BC00, s13;
	s14 =	sadd.s32 $0x2B200, s0;
	p0 =	sne.s32 s16, $0x0  }
0x17: {  	s19 =	sshll.u32 s11, $0x5;
	s11 =	sadd.s32 s2, s26;
	s25 =	sand.u32 $0x1, s8  }
0x18: {  	v0 =	vlaneseq.u32;
	s30 =	sadd.s32 s2, s4;
	s20 =	sshrl.u32 @!p0 s20, $0x3;
	s26 =	simm.s32 $0x2  }
0x19: {  	v5 =	vimm.f32 $1.000000000e+00;
	v1 =	vor.u32 $0x10, v0;
	s29 =	sand.u32 $0x1FFFFFE0, s19;
	s0 =	sadd.s32 $0x20, s30;
	s19 =	simm.s32 $0x1BE00  }
0x1a: {  	v2 =	vor.u32 $0x20, v0;
	v3 =	vor.u32 $0x30, v0;
	v4 =	vor.u32 $0x40, v0;
	p1 =	seq.s32 s25, $0x0;
	s25 =	simm.s32 $0x1;
	s12 =	sadd.s32 s2, s29  }
.LBB2_1:
0x1b: {  	[spmem:s17], [sflag:s10] =	dma.local [hbm:s7], $0x2780  }
0x1c: {  	_ =	swait.ge [sflag:s18], $0x2780  }
0x1d: {  	[sflag:s18] =	ssyncset.done $0x0  }
0x1e: {  	[sflag:s18] =	ssyncadd.s32 $0xFFFFD880  }
0x1f: {  	[tilespmem:s19], [sflag:$0x3] =	stream.linear.gather [hbm4b:s6+s5], $0x2800, $0x38;
	[tilespmem:$0x1E900] =	vst v63  }
0x20: {  	_ =	swait.ge [sflag:s18], $0x2800  }
0x21: {  	[sflag:s18] =	ssyncset.done $0x0  }
0x22: {  	[sflag:s18] =	ssyncadd.s32 $0xFFFFD800  }
0x23: {  	[tilespmem:$0x1E600] =	vst v0  }
0x24: {  	[tilespmem:$0x1E610] =	vst v1  }
0x25: {  	[tilespmem:$0x1E620] =	vst v2  }
0x26: {  	[tilespmem:$0x1E630] =	vst v3  }
0x27: {  	s4 =	simm.s32 @!p0 $0x3;
	[tilespmem:$0x1E640] =	vst v4  }
0x28: {  	[spmem:s20], [sflag:s10] =	dma.local @!p0 [hbm:s6], $0x500  }
0x29: {  	_ =	swait.ge @!p0 [sflag:s4], $0x500  }
0x2a: {  	[sflag:s4] =	ssyncset.done @!p0 $0x0  }
0x2b: {  	[sflag:s4] =	ssyncadd.s32 @!p0 $0xFFFFFB00  }
0x2c: {  	[bflag:$0x0] =	sbarrier.arrive $0xFFFF  }
0x2d: {  	[tilespmem:s5], [sflag:$0x3] =	stream.linear.gather [hbm4b:s11+s5], $0x100, $0x38;
	[tilespmem:$0x1E900] =	vst v63  }
0x2e: {  	_ =	swait.ge [sflag:s18], $0x100  }
0x2f: {  	[sflag:s18] =	ssyncset.done $0x0  }
0x30: {  	s16 =	smov.u32 s0;
	s29 =	simm.s32 $0x2;
	[sflag:s18] =	ssyncadd.s32 $0xFFFFFF00  }
0x31: {  	[tilespmem:s22], [sflag:$0x1] =	stream.indirect.gather [hbm4b:s1+s21], $0x80, s5, s21, $0xb8;
	[tilespmem:$0x1E900] =	vst v63  }
.LBB2_2:
0x32: {  	[tilespmem:s23], [sflag:$0x3] =	stream.linear.gather [hbm4b:s16+s5], $0x100, $0x38;
	[tilespmem:$0x1E900] =	vst v63  }
0x33: {  	_ =	swait.ge [sflag:s18], $0x100  }
0x34: {  	[sflag:s18] =	ssyncset.done $0x0  }
0x35: {  	[sflag:s18] =	ssyncadd.s32 $0xFFFFFF00  }
0x36: {  	[tilespmem:s24], [sflag:$0x2] =	stream.indirect.gather [hbm4b:s1+s21], $0x80, s23, s21, $0xb8;
	[tilespmem:$0x1E900] =	vst v63  }
0x37: {  	_ =	swait.ge [sflag:s25], $0x4000  }
0x38: {  	[sflag:s25] =	ssyncset.done $0x0  }
0x39: {  	[sflag:s25] =	ssyncadd.s32 $0xFFFFC000  }
0x3a: {  	[spmem:s3] =	stream.indirect.scatter.add.f32 [tilespmem:s22], [sflag:$0x3], $0x80, s21, s21, $0xb8;
	[tilespmem:$0x1E900] =	vst v63  }
0x3b: {  	_ =	swait.ge [sflag:s18], $0x4000  }
0x3c: {  	[sflag:s18] =	ssyncset.done $0x0  }
0x3d: {  	[sflag:s18] =	ssyncadd.s32 $0xFFFFC000  }
0x3e: {  	v6 =	vld [tilespmem:$0x80];
	_ =	sdelay $0x7  }
0x3f: {  	[tilespmem:v6+s19+$0x0] =	vst.idx.add.f32.msk $0xffff, v5  }
0x40: {  	v6 =	vld [tilespmem:$0x90];
	_ =	sdelay $0x7  }
0x41: {  	[tilespmem:v6+s19+$0x0] =	vst.idx.add.f32.msk $0xffff, v5  }
0x42: {  	v6 =	vld [tilespmem:$0xA0];
	_ =	sdelay $0x7  }
0x43: {  	[tilespmem:v6+s19+$0x0] =	vst.idx.add.f32.msk $0xffff, v5  }
0x44: {  	v6 =	vld [tilespmem:$0xB0];
	_ =	sdelay $0x7  }
0x45: {  	[tilespmem:v6+s19+$0x0] =	vst.idx.add.f32.msk $0xffff, v5  }
0x46: {  	v6 =	vld [tilespmem:$0xC0];
	_ =	sdelay $0x7  }
0x47: {  	[tilespmem:v6+s19+$0x0] =	vst.idx.add.f32.msk $0xffff, v5  }
0x48: {  	v6 =	vld [tilespmem:$0xD0];
	_ =	sdelay $0x7  }
0x49: {  	[tilespmem:v6+s19+$0x0] =	vst.idx.add.f32.msk $0xffff, v5  }
0x4a: {  	v6 =	vld [tilespmem:$0xE0];
	_ =	sdelay $0x7  }
0x4b: {  	[tilespmem:v6+s19+$0x0] =	vst.idx.add.f32.msk $0xffff, v5  }
0x4c: {  	v6 =	vld [tilespmem:$0xF0];
	_ =	sdelay $0x2  }
0x4d: {  	p2 =	seq.s32 s8, s29;
	s4 =	smov.u32 s29  }
0x4e: {  	s4 =	simm.s32 @p2 $0x0  }
0x4f: {  	s4 =	sadd.s32 s9, s4  }
0x50: {  	s4 =	sshll.u32 s4, $0x5  }
0x51: {  	s4 =	sand.u32 $0x1FFFFFE0, s4  }
0x52: {  	s4 =	sadd.s32 s2, s4;
	[tilespmem:v6+s19+$0x0] =	vst.idx.add.f32.msk $0xffff, v5  }
0x53: {  	[tilespmem:s5], [sflag:$0x3] =	stream.linear.gather [hbm4b:s4+s5], $0x100, $0x38;
	[tilespmem:$0x1E900] =	vst v63  }
0x54: {  	_ =	swait.ge [sflag:s18], $0x100  }
0x55: {  	[sflag:s18] =	ssyncset.done $0x0  }
0x56: {  	[sflag:s18] =	ssyncadd.s32 $0xFFFFFF00  }
0x57: {  	[tilespmem:s22], [sflag:$0x1] =	stream.indirect.gather [hbm4b:s1+s21], $0x80, s5, s21, $0xb8;
	[tilespmem:$0x1E900] =	vst v63  }
0x58: {  	_ =	swait.ge [sflag:s26], $0x4000  }
0x59: {  	[sflag:s26] =	ssyncset.done $0x0  }
0x5a: {  	[sflag:s26] =	ssyncadd.s32 $0xFFFFC000  }
0x5b: {  	[spmem:s3] =	stream.indirect.scatter.add.f32 [tilespmem:s24], [sflag:$0x3], $0x80, s28, s21, $0xb8;
	[tilespmem:$0x1E900] =	vst v63  }
0x5c: {  	_ =	swait.ge [sflag:s18], $0x4000  }
0x5d: {  	[sflag:s18] =	ssyncset.done $0x0  }
0x5e: {  	[sflag:s18] =	ssyncadd.s32 $0xFFFFC000  }
0x5f: {  	v6 =	vld [tilespmem:$0x180];
	_ =	sdelay $0x7  }
0x60: {  	[tilespmem:v6+s19+$0x0] =	vst.idx.add.f32.msk $0xffff, v5  }
0x61: {  	v6 =	vld [tilespmem:$0x190];
	_ =	sdelay $0x7  }
0x62: {  	[tilespmem:v6+s19+$0x0] =	vst.idx.add.f32.msk $0xffff, v5  }
0x63: {  	v6 =	vld [tilespmem:$0x1A0];
	_ =	sdelay $0x7  }
0x64: {  	[tilespmem:v6+s19+$0x0] =	vst.idx.add.f32.msk $0xffff, v5  }
0x65: {  	v6 =	vld [tilespmem:$0x1B0];
	_ =	sdelay $0x7  }
0x66: {  	[tilespmem:v6+s19+$0x0] =	vst.idx.add.f32.msk $0xffff, v5  }
0x67: {  	v6 =	vld [tilespmem:$0x1C0];
	_ =	sdelay $0x7  }
0x68: {  	[tilespmem:v6+s19+$0x0] =	vst.idx.add.f32.msk $0xffff, v5  }
0x69: {  	v6 =	vld [tilespmem:$0x1D0];
	_ =	sdelay $0x7  }
0x6a: {  	[tilespmem:v6+s19+$0x0] =	vst.idx.add.f32.msk $0xffff, v5  }
0x6b: {  	v6 =	vld [tilespmem:$0x1E0];
	_ =	sdelay $0x7  }
0x6c: {  	[tilespmem:v6+s19+$0x0] =	vst.idx.add.f32.msk $0xffff, v5  }
0x6d: {  	v6 =	vld [tilespmem:$0x1F0];
	_ =	sdelay $0x2  }
0x6e: {  	p2 =	sne.s32 s29, $0x4E  }
.Ltmp0:
0x6f: {  	_ = 	snop;
	(pc) =	sbr.rel @p2 .LBB2_2-.Ltmp0, $2  }
0x70: {  	_ =	sdelay $0x2  }
0x71: {  	s16 =	sadd.s32 $0x40, s16;
	s29 =	sadd.s32 $0x2, s29;
	[tilespmem:v6+s19+$0x0] =	vst.idx.add.f32.msk $0xffff, v5  }
0x72: {  	_ =	swait.ge [sflag:s25], $0x4000  }
0x73: {  	[sflag:s25] =	ssyncset.done $0x0  }
0x74: {  	s4 =	simm.s32 @!p1 $0x0;
	s16 =	simm.s32 @!p1 $0x3;
	[sflag:s25] =	ssyncadd.s32 $0xFFFFC000  }
0x75: {  	[tilespmem:s4], [sflag:$0x3] =	stream.linear.gather @!p1 [hbm4b:s12+s4], $0x100, $0x38;
	[tilespmem:$0x1E900] =	vst v63  }
0x76: {  	_ =	swait.ge @!p1 [sflag:s16], $0x100  }
0x77: {  	[sflag:s16] =	ssyncset.done @!p1 $0x0  }
0x78: {  	s29 =	simm.s32 @!p1 $0x80;
	s30 =	simm.s32 @!p1 $0x200;
	[sflag:s16] =	ssyncadd.s32 @!p1 $0xFFFFFF00  }
0x79: {  	[tilespmem:s30], [sflag:$0x1] =	stream.indirect.gather @!p1 [hbm4b:s1+s29], $0x80, s4, s29, $0xb8;
	[tilespmem:$0x1E900] =	vst v63  }
0x7a: {  	s4 =	simm.s32 @!p1 $0x1  }
0x7b: {  	_ =	swait.ge @!p1 [sflag:s4], $0x4000  }
0x7c: {  	[sflag:s4] =	ssyncset.done @!p1 $0x0  }
0x7d: {  	[sflag:s4] =	ssyncadd.s32 @!p1 $0xFFFFC000  }
0x7e: {  	[spmem:s3] =	stream.indirect.scatter.add.f32 @!p1 [tilespmem:s30], [sflag:$0x3], $0x80, s29, s29, $0xb8;
	[tilespmem:$0x1E900] =	vst v63  }
0x7f: {  	_ =	swait.ge @!p1 [sflag:s16], $0x4000  }
0x80: {  	[sflag:s16] =	ssyncset.done @!p1 $0x0  }
0x81: {  	[sflag:s16] =	ssyncadd.s32 @!p1 $0xFFFFC000  }
0x82: {  	v6 =	vld @!p1 [tilespmem:$0x80];
	_ =	sdelay $0x6  }
0x83: {  	v7 =	vimm.f32 @!p1 $1.000000000e+00;
	s4 =	simm.s32 @!p1 $0x1BE00  }
0x84: {  	[tilespmem:v6+s4+$0x0] =	vst.idx.add.f32.msk @!p1 $0xffff, v7  }
0x85: {  	v6 =	vld @!p1 [tilespmem:$0x90];
	_ =	sdelay $0x7  }
0x86: {  	[tilespmem:v6+s4+$0x0] =	vst.idx.add.f32.msk @!p1 $0xffff, v7  }
0x87: {  	v6 =	vld @!p1 [tilespmem:$0xA0];
	_ =	sdelay $0x7  }
0x88: {  	[tilespmem:v6+s4+$0x0] =	vst.idx.add.f32.msk @!p1 $0xffff, v7  }
0x89: {  	v6 =	vld @!p1 [tilespmem:$0xB0];
	_ =	sdelay $0x7  }
0x8a: {  	[tilespmem:v6+s4+$0x0] =	vst.idx.add.f32.msk @!p1 $0xffff, v7  }
0x8b: {  	v6 =	vld @!p1 [tilespmem:$0xC0];
	_ =	sdelay $0x7  }
0x8c: {  	[tilespmem:v6+s4+$0x0] =	vst.idx.add.f32.msk @!p1 $0xffff, v7  }
0x8d: {  	v6 =	vld @!p1 [tilespmem:$0xD0];
	_ =	sdelay $0x7  }
0x8e: {  	[tilespmem:v6+s4+$0x0] =	vst.idx.add.f32.msk @!p1 $0xffff, v7  }
0x8f: {  	v6 =	vld @!p1 [tilespmem:$0xE0];
	_ =	sdelay $0x7  }
0x90: {  	[tilespmem:v6+s4+$0x0] =	vst.idx.add.f32.msk @!p1 $0xffff, v7  }
0x91: {  	v6 =	vld @!p1 [tilespmem:$0xF0];
	_ =	sdelay $0x7  }
0x92: {  	s30 =	simm.s32 $0x1E600;
	s16 =	simm.s32 $0x50;
	[tilespmem:v6+s4+$0x0] =	vst.idx.add.f32.msk @!p1 $0xffff, v7;
	s4 =	rddreg [dreg:$0x4]  }
0x93: {  	[spmem:s4] =	stream.indirect.scatter.add.f32 [tilespmem:s19], [sflag:$0x3], $0x80, s30, s16, $0xb8;
	[tilespmem:$0x1E900] =	vst v63  }
0x94: {  	_ =	swait.ge [sflag:s18], $0x2800  }
0x95: {  	[sflag:s18] =	ssyncset.done $0x0  }
0x96: {  	[sflag:s18] =	ssyncadd.s32 $0xFFFFD800  }
0x97: {  	[bflag:$0x0] =	sbarrier.arrive $0xFFFF  }
0x98: {  	[hbm:s13], [sflag:s10] =	dma.local [spmem:s17], $0x2780  }
0x99: {  	s31 =	sadd.s32 $0x1, s31;
	_ =	swait.ge [sflag:s18], $0x2780  }
0x9a: {  	p2 =	sne.s32 s31, s15;
	[sflag:s18] =	ssyncset.done $0x0  }
.Ltmp1:
0x9b: {  	s4 =	simm.s32 @!p0 $0x3;
	[sflag:s18] =	ssyncadd.s32 $0xFFFFD880;
	(pc) =	sbr.rel @p2 .LBB2_1-.Ltmp1, $4  }
0x9c: {  	[hbm:s14], [sflag:s10] =	dma.local @!p0 [spmem:s20], $0x500  }
0x9d: {  	_ =	swait.ge @!p0 [sflag:s4], $0x500  }
0x9e: {  	[sflag:s4] =	ssyncset.done @!p0 $0x0  }
0x9f: {  	[sflag:s4] =	ssyncadd.s32 @!p0 $0xFFFFFB00  }
0xa0: {  	_ =	sfence.sel $0x180000  }
0xa1: {  	[bflag:$0x0] =	sbarrier.arrive $0xFFFF  }
0xa2: {  	_ =	strace $0x90000047  }
0xa3: {  	[bflag:$0x2] =	sbarrier.arrive $0xFFFF  }
0xa4: {  	s0 =	rddreg [dreg:$0x5]  }
0xa5: {  	s0 =	sadd.s32 @!p0 $0x100000, s0  }
0xa6: {  	[sflag:s0] =	ssyncadd.tile.s32 @!p0 $0x1;
	_ =	shalt  }
.Lfunc_end2:
_tile_overlayer_lowered:
.L_overlay_start_2:
0xa7: {  	(tag) =	ssettag $0x2  }
0xa8: {  	s0 =	rddreg [dreg:$0x0];
	s2 =	stileid.u32  }
0xa9: {  	s1 =	rddreg [dreg:$0x1];
	p0 =	sne.s32 s2, $0x0  }
0xaa: {  	s3 =	rddreg [dreg:$0x2];
	[bflag:$0x3] =	sbarrier.arrive $0xFFFF;
	s2 =	simm.s32 @!p0 $0x1C03  }
0xab: {  	[timem:s3], [sflag:s2] =	dma.local @!p0 [hbm:s0], s1  }
0xac: {  	s0 =	simm.s32 @!p0 $0x3  }
0xad: {  	_ =	swait.ge @!p0 [sflag:s0], s1  }
0xae: {  	s1 =	ssub.s32 @!p0 $0x0, s1;
	[sflag:s0] =	ssyncset.done @!p0 $0x0  }
0xaf: {  	[sflag:s0] =	ssyncadd.s32 @!p0 s1  }
0xb0: {  	[bflag:$0x3] =	sbarrier.arrive $0xFFFF  }
0xb1: {  	_ =	shalt  }

</sc_bundles>
